<compile_context>
chip_gen: v7x
topology: tpu7x:2x2x1
jax: 0.10.2.dev20260603
libtpu: 0.0.44.dev20260713+nightly
codegen_flags: <defaults>
</compile_context>

<pallas_src>
import functools

import jax
import jax.numpy as jnp
from jax import lax
from jax.experimental import pallas as pl
from jax.experimental.pallas import tpu as pltpu
from jax.experimental.pallas import tpu_sc as plsc

N_NODES = 10000
N_EDGES = 320000
D_IN = 128
N_SUBCORES = 16
CHUNK = 128
PHASE_CHUNKS = 79
N_PHASES = 2
EDGES_PER_TILE = N_PHASES * PHASE_CHUNKS * CHUNK
E_PAD = N_SUBCORES * EDGES_PER_TILE
CBUF = (PHASE_CHUNKS + 1) * CHUNK
HALF = N_NODES // 2
HALF_PAD = 5120
ROWS_PER_TILE = HALF_PAD // N_SUBCORES
TRASH = HALF_PAD - 1
DEG_PAD = 10016


@functools.partial(
    pl.kernel,
    out_type=(
        jax.ShapeDtypeStruct((2, HALF_PAD, D_IN), jnp.float32),
        jax.ShapeDtypeStruct((N_SUBCORES, DEG_PAD), jnp.float32),
    ),
    mesh=plsc.VectorSubcoreMesh(core_axis_name="c", subcore_axis_name="s"),
    compiler_params=pltpu.CompilerParams(needs_layout_passes=False),
    scratch_types=[
        pltpu.VMEM((PHASE_CHUNKS, CHUNK), jnp.int32),
        pltpu.VMEM((PHASE_CHUNKS, CHUNK), jnp.int32),
        pltpu.VMEM((CBUF,), jnp.int32),
        pltpu.VMEM((CBUF,), jnp.int32),
        pltpu.VMEM((CHUNK, D_IN), jnp.float32),
        pltpu.VMEM((DEG_PAD,), jnp.float32),
        pltpu.VMEM_SHARED((HALF_PAD, D_IN), jnp.float32),
        pltpu.SemaphoreType.DMA,
        pltpu.SemaphoreType.DMA,
        pltpu.SemaphoreType.DMA,
    ],
)
def _sc_aggregate(h_hbm, src_r, dst_r, zeros2d, zeros1d, out_feat, out_deg,
                  src_v, dst_v, src_c, dst_c, buf, deg_v, acc,
                  sem, sem_b, sem_c):
    c = lax.axis_index("c")
    s = lax.axis_index("s")
    row0 = s * ROWS_PER_TILE

    with jax.named_scope("prologue"):
        pltpu.async_copy(zeros2d.at[pl.ds(row0, ROWS_PER_TILE)],
                         acc.at[pl.ds(row0, ROWS_PER_TILE)], sem)
        pltpu.async_copy(src_r.at[s, 0], src_v, sem_b)
        pltpu.async_copy(dst_r.at[s, 0], dst_v, sem_c)
        pltpu.sync_copy(zeros1d, deg_v)
        pltpu.make_async_copy(zeros2d.at[pl.ds(row0, ROWS_PER_TILE)],
                              acc.at[pl.ds(row0, ROWS_PER_TILE)], sem).wait()
        pltpu.make_async_copy(src_r.at[s, 0], src_v, sem_b).wait()
        pltpu.make_async_copy(dst_r.at[s, 0], dst_v, sem_c).wait()
    plsc.subcore_barrier()

    ones16 = jnp.ones((16,), jnp.float32)
    trash16 = jnp.full((16,), TRASH, jnp.int32)
    zero16 = jnp.zeros((16,), jnp.int32)
    base = c * HALF

    for p in range(N_PHASES):
        if p > 0:
            with jax.named_scope("stage"):
                st1 = pltpu.async_copy(src_r.at[s, p], src_v, sem_b)
                st2 = pltpu.async_copy(dst_r.at[s, p], dst_v, sem_c)
                st1.wait()
                st2.wait()

        def pre_body(e, cnt):
            j = e // 8
            k = e - j * 8
            vd = dst_v[j, pl.ds(k * 16, 16)]
            vs = src_v[j, pl.ds(k * 16, 16)]

            @pl.when(c == 0)
            def _():
                plsc.addupdate_scatter(deg_v, [vd], ones16)

            local = vd - base
            valid = (local >= 0) & (local < HALF)
            plsc.store_compressed(dst_c.at[pl.ds(cnt, 16)], local, mask=valid)
            plsc.store_compressed(src_c.at[pl.ds(cnt, 16)], vs, mask=valid)
            return cnt + jnp.sum(jnp.where(valid, 1, 0))

        with jax.named_scope("compact"):
            cnt = lax.fori_loop(0, PHASE_CHUNKS * 8, pre_body, 0)

        for k in range(CHUNK // 16):
            dst_c[pl.ds(cnt + k * 16, 16)] = trash16
            src_c[pl.ds(cnt + k * 16, 16)] = zero16

        n_ch = (cnt + CHUNK - 1) // CHUNK

        def body(j, carry):
            pltpu.async_copy(h_hbm.at[src_c.at[pl.ds(j * CHUNK, CHUNK)]],
                             buf, sem).wait()
            pltpu.sync_copy(buf, acc.at[dst_c.at[pl.ds(j * CHUNK, CHUNK)]],
                            add=True)
            return carry

        with jax.named_scope("mainloop"):
            lax.fori_loop(0, n_ch, body, 0)

    with jax.named_scope("degout"):
        @pl.when(c == 0)
        def _():
            pltpu.sync_copy(deg_v, out_deg.at[s])

    plsc.subcore_barrier()
    with jax.named_scope("writeout"):
        pltpu.sync_copy(acc.at[pl.ds(row0, ROWS_PER_TILE)],
                        out_feat.at[c, pl.ds(row0, ROWS_PER_TILE)])


def _tc1_body(h_ref, wt1_ref, b_ref, o_ref):
    o_ref[...] = (
        jnp.dot(h_ref[...], wt1_ref[...], preferred_element_type=jnp.float32)
        + b_ref[...]
    )


def _tc2_body(t_ref, p_ref, deg_ref, wt2_ref, o_ref):
    summed = p_ref[0]
    deg = jnp.sum(deg_ref[...], axis=1)
    hn = summed / jnp.maximum(deg, 1.0)[:, None]
    o_ref[...] = t_ref[...] + jnp.dot(hn, wt2_ref[...],
                                      preferred_element_type=jnp.float32)


BLK = 1000


def kernel(h, edge_index, W, b):
    n, d = h.shape
    src = edge_index[0].astype(jnp.int32)
    dst = edge_index[1].astype(jnp.int32)
    pad = E_PAD - N_EDGES
    src = jnp.concatenate([src, jnp.zeros((pad,), jnp.int32)])
    dst = jnp.concatenate([dst, jnp.full((pad,), N_NODES, jnp.int32)])
    src = src.reshape(N_SUBCORES, N_PHASES, PHASE_CHUNKS, CHUNK)
    dst = dst.reshape(N_SUBCORES, N_PHASES, PHASE_CHUNKS, CHUNK)
    zeros2d = jnp.zeros((HALF_PAD, d), jnp.float32)
    zeros1d = jnp.zeros((DEG_PAD,), jnp.float32)

    partials, deg_parts = _sc_aggregate(h, src, dst, zeros2d, zeros1d)

    wt = W.T
    wt1 = wt[:d]
    wt2 = wt[d:]
    b2 = b.reshape(1, -1)

    tmp = pl.pallas_call(
        _tc1_body,
        grid=(n // BLK,),
        in_specs=[
            pl.BlockSpec((BLK, d), lambda i: (i, 0)),
            pl.BlockSpec((d, d), lambda i: (0, 0)),
            pl.BlockSpec((1, d), lambda i: (0, 0)),
        ],
        out_specs=pl.BlockSpec((BLK, d), lambda i: (i, 0)),
        out_shape=jax.ShapeDtypeStruct((n, d), jnp.float32),
    )(h, wt1, b2)

    nblk_half = HALF // BLK
    out = pl.pallas_call(
        _tc2_body,
        grid=(n // BLK,),
        in_specs=[
            pl.BlockSpec((BLK, d), lambda i: (i, 0)),
            pl.BlockSpec((1, BLK, d), lambda i: (i // nblk_half, i % nblk_half, 0)),
            pl.BlockSpec((BLK, N_SUBCORES), lambda i: (i, 0)),
            pl.BlockSpec((d, d), lambda i: (0, 0)),
        ],
        out_specs=pl.BlockSpec((BLK, d), lambda i: (i, 0)),
        out_shape=jax.ShapeDtypeStruct((n, d), jnp.float32),
    )(tmp, partials, deg_parts[:, :n].T, wt2)
    return out

# --- scband reference (transcript-rebuilt; emitter-appended) ---
"""Pipeline reference for scband-custom-gcnlayer-2267742732802 (READ-ONLY COPY).

The authoritative reference and input builder live on the scoring server;
editing this copy changes nothing except your own understanding.
"""

import jax, jax.numpy as jnp
import numpy as np

N_NODES = 10000
N_EDGES = 320000
D_IN = 128
D_OUT = 128


def setup_inputs(seed: int = 0) -> dict:
    key = jax.random.key(seed)
    k_h, k_e, k_w, k_b = jax.random.split(key, 4)
    h = jax.random.normal(k_h, (N_NODES, D_IN), dtype=jnp.float32)
    edge_index = jax.random.randint(k_e, (2, N_EDGES), 0, N_NODES, dtype=jnp.int64)
    # nn.Linear(in_feats*2, out_feats): weight [out, in*2], bias [out]
    bound = 1.0 / np.sqrt(D_IN * 2)
    W = jax.random.uniform(k_w, (D_OUT, D_IN * 2), dtype=jnp.float32, minval=-bound, maxval=bound)
    b = jax.random.uniform(k_b, (D_OUT,), dtype=jnp.float32, minval=-bound, maxval=bound)
    return {"h": h, "edge_index": edge_index, "W": W, "b": b}


def reference(h, edge_index, W, b):
    # Full-graph block: number_of_dst_nodes == N (h_dst = h)
    src = edge_index[0]
    dst = edge_index[1]
    n = h.shape[0]
    # update_all(copy_u('h','m'), mean('m','h_neigh')): mean of src features per dst node
    msg = jnp.take(h, src, axis=0)
    summed = jax.ops.segment_sum(msg, dst, num_segments=n)
    deg = jax.ops.segment_sum(jnp.ones((src.shape[0],), dtype=h.dtype), dst, num_segments=n)
    h_neigh = summed / jnp.maximum(deg, 1.0)[:, None]
    cat = jnp.concatenate([h, h_neigh], axis=1)
    return cat @ W.T + b


if False:  # reference __main__ guard neutralized (emitter)
    inp = setup_inputs()
    out = reference(**inp)
    print(out.shape)

if __name__ == "__main__":
    import jax
    _d = setup_inputs()
    print(jax.jit(kernel)(*tuple(_d.values())))

</pallas_src>

<mosaic_0001>
#map = affine_map<(d0, d1) -> (0, 0)>
#map1 = affine_map<(d0, d1) -> (0, 0, 0, 0)>
#map2 = affine_map<(d0, d1) -> (0)>
#map3 = affine_map<(d0, d1) -> (0, 0, 0)>
module attributes {stable_mosaic.version = 14 : i64} {
  func.func @_sc_aggregate(%arg0: i32, %arg1: i32, %arg2: memref<10000x128xf32, #tpu.memory_space<hbm>>, %arg3: memref<16x2x79x128xi32, #tpu.memory_space<hbm>>, %arg4: memref<16x2x79x128xi32, #tpu.memory_space<hbm>>, %arg5: memref<5120x128xf32, #tpu.memory_space<hbm>>, %arg6: memref<10016xf32, #tpu.memory_space<hbm>>, %arg7: memref<2x5120x128xf32, #tpu.memory_space<hbm>>, %arg8: memref<16x10016xf32, #tpu.memory_space<hbm>>, %arg9: memref<79x128xi32, #tpu.memory_space<vmem>>, %arg10: memref<79x128xi32, #tpu.memory_space<vmem>>, %arg11: memref<10240xi32, #tpu.memory_space<vmem>>, %arg12: memref<10240xi32, #tpu.memory_space<vmem>>, %arg13: memref<128x128xf32, #tpu.memory_space<vmem>>, %arg14: memref<10016xf32, #tpu.memory_space<vmem>>, %arg15: memref<5120x128xf32, #tpu.memory_space<vmem_shared>>, %arg16: memref<!tpu.dma_semaphore, #tpu.memory_space<semaphore_mem>>, %arg17: memref<!tpu.dma_semaphore, #tpu.memory_space<semaphore_mem>>, %arg18: memref<!tpu.dma_semaphore, #tpu.memory_space<semaphore_mem>>) attributes {dimension_semantics = [#tpu.dimension_semantics<core_parallel>, #tpu.dimension_semantics<subcore_parallel>], iteration_bounds = array<i64: 2, 16>, scalar_prefetch = 0 : i64, scratch_operands = 10 : i64, tpu.core_type = #tpu.core_type<sc_vector_subcore>, window_params = [{transform_indices = #map}, {transform_indices = #map1}, {transform_indices = #map1}, {transform_indices = #map}, {transform_indices = #map2}, {transform_indices = #map3}, {transform_indices = #map}]} {
    %mul3A = arith.constant 320 : i32
    %mul3A_0 = arith.muli %arg1, %mul3A : i32
    "tpu.trace_start"() <{level = 10 : i32, message = "prologue"}> : () -> ()
    %dma_start3A = arith.constant 0 : i32
    %dma_start3A_1 = tpu.memref_slice %arg15[%mul3A_0, %dma_start3A] : memref<5120x128xf32, #tpu.memory_space<vmem_shared>> -> memref<320x128xf32, #tpu.memory_space<vmem_shared>>
    %dma_start3A_2 = arith.constant 0 : i32
    %dma_start3A_3 = tpu.memref_slice %arg5[%mul3A_0, %dma_start3A_2] : memref<5120x128xf32, #tpu.memory_space<hbm>> -> memref<320x128xf32, #tpu.memory_space<hbm>>
    tpu.enqueue_dma source(%dma_start3A_3 : memref<320x128xf32, #tpu.memory_space<hbm>>) target(%dma_start3A_1 : memref<320x128xf32, #tpu.memory_space<vmem_shared>>) target_semaphore(%arg16 : memref<!tpu.dma_semaphore, #tpu.memory_space<semaphore_mem>>)
    %dma_start3A_4 = arith.constant 0 : i32
    %dma_start3A_5 = arith.constant 0 : i32
    %dma_start3A_6 = arith.constant 0 : i32
    %dma_start3A_7 = tpu.memref_slice %arg3[%arg1, %dma_start3A_4, %dma_start3A_5, %dma_start3A_6] : memref<16x2x79x128xi32, #tpu.memory_space<hbm>> -> memref<1x1x79x128xi32, #tpu.memory_space<hbm>>
    %dma_start3A_8 = tpu.memref_squeeze %dma_start3A_7 : memref<1x1x79x128xi32, #tpu.memory_space<hbm>> -> memref<79x128xi32, #tpu.memory_space<hbm>>
    %dma_start3A_9 = arith.constant 0 : i32
    %dma_start3A_10 = arith.constant 0 : i32
    %dma_start3A_11 = tpu.memref_slice %arg3[%arg1, %dma_start3A_4, %dma_start3A_9, %dma_start3A_10] : memref<16x2x79x128xi32, #tpu.memory_space<hbm>> -> memref<1x1x79x128xi32, #tpu.memory_space<hbm>>
    %dma_start3A_12 = tpu.memref_squeeze %dma_start3A_11 : memref<1x1x79x128xi32, #tpu.memory_space<hbm>> -> memref<79x128xi32, #tpu.memory_space<hbm>>
    tpu.enqueue_dma source(%dma_start3A_12 : memref<79x128xi32, #tpu.memory_space<hbm>>) target(%arg9 : memref<79x128xi32, #tpu.memory_space<vmem>>) target_semaphore(%arg17 : memref<!tpu.dma_semaphore, #tpu.memory_space<semaphore_mem>>)
    %dma_start3A_13 = arith.constant 0 : i32
    %dma_start3A_14 = arith.constant 0 : i32
    %dma_start3A_15 = arith.constant 0 : i32
    %dma_start3A_16 = tpu.memref_slice %arg4[%arg1, %dma_start3A_13, %dma_start3A_14, %dma_start3A_15] : memref<16x2x79x128xi32, #tpu.memory_space<hbm>> -> memref<1x1x79x128xi32, #tpu.memory_space<hbm>>
    %dma_start3A_17 = tpu.memref_squeeze %dma_start3A_16 : memref<1x1x79x128xi32, #tpu.memory_space<hbm>> -> memref<79x128xi32, #tpu.memory_space<hbm>>
    %dma_start3A_18 = arith.constant 0 : i32
    %dma_start3A_19 = arith.constant 0 : i32
    %dma_start3A_20 = tpu.memref_slice %arg4[%arg1, %dma_start3A_13, %dma_start3A_18, %dma_start3A_19] : memref<16x2x79x128xi32, #tpu.memory_space<hbm>> -> memref<1x1x79x128xi32, #tpu.memory_space<hbm>>
    %dma_start3A_21 = tpu.memref_squeeze %dma_start3A_20 : memref<1x1x79x128xi32, #tpu.memory_space<hbm>> -> memref<79x128xi32, #tpu.memory_space<hbm>>
    tpu.enqueue_dma source(%dma_start3A_21 : memref<79x128xi32, #tpu.memory_space<hbm>>) target(%arg10 : memref<79x128xi32, #tpu.memory_space<vmem>>) target_semaphore(%arg18 : memref<!tpu.dma_semaphore, #tpu.memory_space<semaphore_mem>>)
    "tpu.region"() ({
      %run_scoped3A = tpu.sem_alloc : memref<!tpu.dma_semaphore, #tpu.memory_space<semaphore_mem>>
      tpu.enqueue_dma source(%arg6 : memref<10016xf32, #tpu.memory_space<hbm>>) target(%arg14 : memref<10016xf32, #tpu.memory_space<vmem>>) target_semaphore(%run_scoped3A : memref<!tpu.dma_semaphore, #tpu.memory_space<semaphore_mem>>)
      tpu.wait_dma2 semaphore(%run_scoped3A : memref<!tpu.dma_semaphore, #tpu.memory_space<semaphore_mem>>) src(%arg6 : memref<10016xf32, #tpu.memory_space<hbm>>) dst(%arg14 : memref<10016xf32, #tpu.memory_space<vmem>>)
      tpu.yield
    }) : () -> ()
    %dma_wait3A = arith.constant 0 : i32
    %dma_wait3A_22 = tpu.memref_slice %arg15[%mul3A_0, %dma_wait3A] : memref<5120x128xf32, #tpu.memory_space<vmem_shared>> -> memref<320x128xf32, #tpu.memory_space<vmem_shared>>
    %dma_wait3A_23 = arith.constant 0 : i32
    %dma_wait3A_24 = tpu.memref_slice %arg5[%mul3A_0, %dma_wait3A_23] : memref<5120x128xf32, #tpu.memory_space<hbm>> -> memref<320x128xf32, #tpu.memory_space<hbm>>
    tpu.wait_dma2 semaphore(%arg16 : memref<!tpu.dma_semaphore, #tpu.memory_space<semaphore_mem>>) src(%dma_wait3A_24 : memref<320x128xf32, #tpu.memory_space<hbm>>) dst(%dma_wait3A_22 : memref<320x128xf32, #tpu.memory_space<vmem_shared>>)
    %dma_wait3A_25 = arith.constant 0 : i32
    %dma_wait3A_26 = arith.constant 0 : i32
    %dma_wait3A_27 = arith.constant 0 : i32
    %dma_wait3A_28 = tpu.memref_slice %arg3[%arg1, %dma_wait3A_25, %dma_wait3A_26, %dma_wait3A_27] : memref<16x2x79x128xi32, #tpu.memory_space<hbm>> -> memref<1x1x79x128xi32, #tpu.memory_space<hbm>>
    %dma_wait3A_29 = tpu.memref_squeeze %dma_wait3A_28 : memref<1x1x79x128xi32, #tpu.memory_space<hbm>> -> memref<79x128xi32, #tpu.memory_space<hbm>>
    %dma_wait3A_30 = arith.constant 0 : i32
    %dma_wait3A_31 = arith.constant 0 : i32
    %dma_wait3A_32 = tpu.memref_slice %arg3[%arg1, %dma_wait3A_25, %dma_wait3A_30, %dma_wait3A_31] : memref<16x2x79x128xi32, #tpu.memory_space<hbm>> -> memref<1x1x79x128xi32, #tpu.memory_space<hbm>>
    %dma_wait3A_33 = tpu.memref_squeeze %dma_wait3A_32 : memref<1x1x79x128xi32, #tpu.memory_space<hbm>> -> memref<79x128xi32, #tpu.memory_space<hbm>>
    tpu.wait_dma2 semaphore(%arg17 : memref<!tpu.dma_semaphore, #tpu.memory_space<semaphore_mem>>) src(%dma_wait3A_33 : memref<79x128xi32, #tpu.memory_space<hbm>>) dst(%arg9 : memref<79x128xi32, #tpu.memory_space<vmem>>)
    %dma_wait3A_34 = arith.constant 0 : i32
    %dma_wait3A_35 = arith.constant 0 : i32
    %dma_wait3A_36 = arith.constant 0 : i32
    %dma_wait3A_37 = tpu.memref_slice %arg4[%arg1, %dma_wait3A_34, %dma_wait3A_35, %dma_wait3A_36] : memref<16x2x79x128xi32, #tpu.memory_space<hbm>> -> memref<1x1x79x128xi32, #tpu.memory_space<hbm>>
    %dma_wait3A_38 = tpu.memref_squeeze %dma_wait3A_37 : memref<1x1x79x128xi32, #tpu.memory_space<hbm>> -> memref<79x128xi32, #tpu.memory_space<hbm>>
    %dma_wait3A_39 = arith.constant 0 : i32
    %dma_wait3A_40 = arith.constant 0 : i32
    %dma_wait3A_41 = tpu.memref_slice %arg4[%arg1, %dma_wait3A_34, %dma_wait3A_39, %dma_wait3A_40] : memref<16x2x79x128xi32, #tpu.memory_space<hbm>> -> memref<1x1x79x128xi32, #tpu.memory_space<hbm>>
    %dma_wait3A_42 = tpu.memref_squeeze %dma_wait3A_41 : memref<1x1x79x128xi32, #tpu.memory_space<hbm>> -> memref<79x128xi32, #tpu.memory_space<hbm>>
    tpu.wait_dma2 semaphore(%arg18 : memref<!tpu.dma_semaphore, #tpu.memory_space<semaphore_mem>>) src(%dma_wait3A_42 : memref<79x128xi32, #tpu.memory_space<hbm>>) dst(%arg10 : memref<79x128xi32, #tpu.memory_space<vmem>>)
    "tpu.trace_stop"() : () -> ()
    %barrier3A = arith.constant 0 : index
    tpu.barrier barrier_id(%barrier3A)
    %broadcast_in_dim3A = arith.constant 1.000000e+00 : f32
    %broadcast_in_dim3A_43 = vector.broadcast %broadcast_in_dim3A : f32 to vector<16xf32>
    %broadcast_in_dim3A_44 = arith.constant 5119 : i32
    %broadcast_in_dim3A_45 = vector.broadcast %broadcast_in_dim3A_44 : i32 to vector<16xi32>
    %broadcast_in_dim3A_46 = arith.constant 0 : i32
    %broadcast_in_dim3A_47 = vector.broadcast %broadcast_in_dim3A_46 : i32 to vector<16xi32>
    %mul3A_48 = arith.constant 5000 : i32
    %mul3A_49 = arith.muli %arg0, %mul3A_48 : i32
    "tpu.trace_start"() <{level = 10 : i32, message = "compact"}> : () -> ()
    %scan3A = arith.constant 0 : i32
    %scan3A_50 = arith.constant 0 : i32
    %scan3A_51 = arith.constant 632 : i32
    %scan3A_52 = arith.addi %scan3A_50, %scan3A_51 : i32
    %scan3A_53 = arith.constant 1 : i32
    %scan3A_54 = scf.for %scan3A_295 = %scan3A_50 to %scan3A_52 step %scan3A_53 iter_args(%scan3A_296 = %scan3A) -> (i32)  : i32 {
      %jit3A_297 = arith.constant 8 : i32
      %div3A_298 = arith.divsi %scan3A_295, %jit3A_297 : i32
      %sign3A_299 = arith.constant 0 : i32
      %sign3A_300 = arith.cmpi sgt, %scan3A_295, %sign3A_299 : i32
      %sign3A_301 = arith.extui %sign3A_300 : i1 to i32
      %sign3A_302 = arith.constant 0 : i32
      %sign3A_303 = arith.cmpi slt, %scan3A_295, %sign3A_302 : i32
      %sign3A_304 = arith.extui %sign3A_303 : i1 to i32
      %sign3A_305 = arith.subi %sign3A_301, %sign3A_304 : i32
      %sign3A_306 = arith.constant 0 : i32
      %sign3A_307 = arith.cmpi sgt, %jit3A_297, %sign3A_306 : i32
      %sign3A_308 = arith.extui %sign3A_307 : i1 to i32
      %sign3A_309 = arith.constant 0 : i32
      %sign3A_310 = arith.cmpi slt, %jit3A_297, %sign3A_309 : i32
      %sign3A_311 = arith.extui %sign3A_310 : i1 to i32
      %sign3A_312 = arith.subi %sign3A_308, %sign3A_311 : i32
      %ne3A_313 = arith.cmpi ne, %sign3A_305, %sign3A_312 : i32
      %rem3A_314 = arith.remsi %scan3A_295, %jit3A_297 : i32
      %ne3A_315 = arith.constant 0 : i32
      %ne3A_316 = arith.cmpi ne, %rem3A_314, %ne3A_315 : i32
      %and3A_317 = arith.andi %ne3A_313, %ne3A_316 : i1
      %sub3A_318 = arith.constant 1 : i32
      %sub3A_319 = arith.subi %div3A_298, %sub3A_318 : i32
      %select_n3A_320 = arith.select %and3A_317, %sub3A_319, %div3A_298 : i32
      %mul3A_321 = arith.constant 8 : i32
      %mul3A_322 = arith.muli %select_n3A_320, %mul3A_321 : i32
      %sub3A_323 = arith.subi %scan3A_295, %mul3A_322 : i32
      %mul3A_324 = arith.constant 16 : i32
      %mul3A_325 = arith.muli %sub3A_323, %mul3A_324 : i32
      %get3A = arith.index_cast %select_n3A_320 : i32 to index
      %get3A_326 = arith.index_cast %mul3A_325 : i32 to index
      %get3A_327 = tpu.vector_load %arg10[%get3A, %get3A_326] {strides = array<i32>} : memref<79x128xi32, #tpu.memory_space<vmem>>, vector<16xi32>,
      %mul3A_328 = arith.constant 16 : i32
      %mul3A_329 = arith.muli %sub3A_323, %mul3A_328 : i32
      %get3A_330 = arith.index_cast %select_n3A_320 : i32 to index
      %get3A_331 = arith.index_cast %mul3A_329 : i32 to index
      %get3A_332 = tpu.vector_load %arg9[%get3A_330, %get3A_331] {strides = array<i32>} : memref<79x128xi32, #tpu.memory_space<vmem>>, vector<16xi32>,
      %eq3A_333 = arith.constant 0 : i32
      %eq3A_334 = arith.cmpi eq, %arg0, %eq3A_333 : i32
      %convert_element_type3A_335 = arith.extui %eq3A_334 : i1 to i32
      %cond3A_336 = arith.constant 0 : i32
      %cond3A_337 = arith.cmpi ne, %convert_element_type3A_335, %cond3A_336 : i32
      scf.if %cond3A_337 {
        tpu.vector_store_idx %arg14[%get3A_327], %broadcast_in_dim3A_43 {add = true} : memref<10016xf32, #tpu.memory_space<vmem>>[vector<16xi32>], vector<16xf32>,
      } else {
      }
      %sub3A_338 = vector.broadcast %mul3A_49 : i32 to vector<16xi32>
      %sub3A_339 = arith.subi %get3A_327, %sub3A_338 : vector<16xi32>
      %ge3A = arith.constant 0 : i32
      %ge3A_340 = vector.broadcast %ge3A : i32 to vector<16xi32>
      %ge3A_341 = arith.cmpi sge, %sub3A_339, %ge3A_340 : vector<16xi32>
      %lt3A = arith.constant 5000 : i32
      %lt3A_342 = vector.broadcast %lt3A : i32 to vector<16xi32>
      %lt3A_343 = arith.cmpi slt, %sub3A_339, %lt3A_342 : vector<16xi32>
      %and3A_344 = arith.andi %ge3A_341, %lt3A_343 : vector<16xi1>
      %swap3A_345 = arith.index_cast %scan3A_296 : i32 to index
      %swap3A_346 = tpu.vector_load %arg12[%swap3A_345] masked %and3A_344 {strides = array<i32>} : memref<10240xi32, #tpu.memory_space<vmem>>, vector<16xi32>, vector<16xi1>
      tpu.vector_store %arg12[%swap3A_345], %sub3A_339 masked %and3A_344 {strides = array<i32>} : memref<10240xi32, #tpu.memory_space<vmem>>, vector<16xi32>, vector<16xi1>
      %swap3A_347 = arith.index_cast %scan3A_296 : i32 to index
      %swap3A_348 = tpu.vector_load %arg11[%swap3A_347] masked %and3A_344 {strides = array<i32>} : memref<10240xi32, #tpu.memory_space<vmem>>, vector<16xi32>, vector<16xi1>
      tpu.vector_store %arg11[%swap3A_347], %get3A_332 masked %and3A_344 {strides = array<i32>} : memref<10240xi32, #tpu.memory_space<vmem>>, vector<16xi32>, vector<16xi1>
      %jit3A_349 = arith.constant 1 : i32
      %jit3A_350 = arith.constant 0 : i32
      %broadcast_in_dim3A_351 = vector.broadcast %jit3A_349 : i32 to vector<16xi32>
      %broadcast_in_dim3A_352 = vector.broadcast %jit3A_350 : i32 to vector<16xi32>
      %select_n3A_353 = arith.select %and3A_344, %broadcast_in_dim3A_351, %broadcast_in_dim3A_352 : vector<16xi1>, vector<16xi32>
      %reduce_sum3A = arith.constant true
      %reduce_sum3A_354 = vector.broadcast %reduce_sum3A : i1 to vector<16xi1>
      %reduce_sum3A_355 = tpu.scan <sum>, %select_n3A_353 masked %reduce_sum3A_354 : vector<16xi32>, vector<16xi1> -> vector<16xi32>
      %reduce_sum3A_356 = vector.extract %reduce_sum3A_355[15] : i32 from vector<16xi32>
      %add3A_357 = arith.addi %scan3A_296, %reduce_sum3A_356 : i32
      scf.yield %add3A_357 : i32
    }
    %scan3A_55 = arith.constant 632 : i32
    "tpu.trace_stop"() : () -> ()
    %add3A = arith.constant 0 : i32
    %add3A_56 = arith.addi %scan3A_54, %add3A : i32
    %swap3A = arith.index_cast %add3A_56 : i32 to index
    %swap3A_57 = tpu.vector_load %arg12[%swap3A] {strides = array<i32>} : memref<10240xi32, #tpu.memory_space<vmem>>, vector<16xi32>,
    tpu.vector_store %arg12[%swap3A], %broadcast_in_dim3A_45 {strides = array<i32>} : memref<10240xi32, #tpu.memory_space<vmem>>, vector<16xi32>,
    %add3A_58 = arith.constant 0 : i32
    %add3A_59 = arith.addi %scan3A_54, %add3A_58 : i32
    %swap3A_60 = arith.index_cast %add3A_59 : i32 to index
    %swap3A_61 = tpu.vector_load %arg11[%swap3A_60] {strides = array<i32>} : memref<10240xi32, #tpu.memory_space<vmem>>, vector<16xi32>,
    tpu.vector_store %arg11[%swap3A_60], %broadcast_in_dim3A_47 {strides = array<i32>} : memref<10240xi32, #tpu.memory_space<vmem>>, vector<16xi32>,
    %add3A_62 = arith.constant 16 : i32
    %add3A_63 = arith.addi %scan3A_54, %add3A_62 : i32
    %swap3A_64 = arith.index_cast %add3A_63 : i32 to index
    %swap3A_65 = tpu.vector_load %arg12[%swap3A_64] {strides = array<i32>} : memref<10240xi32, #tpu.memory_space<vmem>>, vector<16xi32>,
    tpu.vector_store %arg12[%swap3A_64], %broadcast_in_dim3A_45 {strides = array<i32>} : memref<10240xi32, #tpu.memory_space<vmem>>, vector<16xi32>,
    %add3A_66 = arith.constant 16 : i32
    %add3A_67 = arith.addi %scan3A_54, %add3A_66 : i32
    %swap3A_68 = arith.index_cast %add3A_67 : i32 to index
    %swap3A_69 = tpu.vector_load %arg11[%swap3A_68] {strides = array<i32>} : memref<10240xi32, #tpu.memory_space<vmem>>, vector<16xi32>,
    tpu.vector_store %arg11[%swap3A_68], %broadcast_in_dim3A_47 {strides = array<i32>} : memref<10240xi32, #tpu.memory_space<vmem>>, vector<16xi32>,
    %add3A_70 = arith.constant 32 : i32
    %add3A_71 = arith.addi %scan3A_54, %add3A_70 : i32
    %swap3A_72 = arith.index_cast %add3A_71 : i32 to index
    %swap3A_73 = tpu.vector_load %arg12[%swap3A_72] {strides = array<i32>} : memref<10240xi32, #tpu.memory_space<vmem>>, vector<16xi32>,
    tpu.vector_store %arg12[%swap3A_72], %broadcast_in_dim3A_45 {strides = array<i32>} : memref<10240xi32, #tpu.memory_space<vmem>>, vector<16xi32>,
    %add3A_74 = arith.constant 32 : i32
    %add3A_75 = arith.addi %scan3A_54, %add3A_74 : i32
    %swap3A_76 = arith.index_cast %add3A_75 : i32 to index
    %swap3A_77 = tpu.vector_load %arg11[%swap3A_76] {strides = array<i32>} : memref<10240xi32, #tpu.memory_space<vmem>>, vector<16xi32>,
    tpu.vector_store %arg11[%swap3A_76], %broadcast_in_dim3A_47 {strides = array<i32>} : memref<10240xi32, #tpu.memory_space<vmem>>, vector<16xi32>,
    %add3A_78 = arith.constant 48 : i32
    %add3A_79 = arith.addi %scan3A_54, %add3A_78 : i32
    %swap3A_80 = arith.index_cast %add3A_79 : i32 to index
    %swap3A_81 = tpu.vector_load %arg12[%swap3A_80] {strides = array<i32>} : memref<10240xi32, #tpu.memory_space<vmem>>, vector<16xi32>,
    tpu.vector_store %arg12[%swap3A_80], %broadcast_in_dim3A_45 {strides = array<i32>} : memref<10240xi32, #tpu.memory_space<vmem>>, vector<16xi32>,
    %add3A_82 = arith.constant 48 : i32
    %add3A_83 = arith.addi %scan3A_54, %add3A_82 : i32
    %swap3A_84 = arith.index_cast %add3A_83 : i32 to index
    %swap3A_85 = tpu.vector_load %arg11[%swap3A_84] {strides = array<i32>} : memref<10240xi32, #tpu.memory_space<vmem>>, vector<16xi32>,
    tpu.vector_store %arg11[%swap3A_84], %broadcast_in_dim3A_47 {strides = array<i32>} : memref<10240xi32, #tpu.memory_space<vmem>>, vector<16xi32>,
    %add3A_86 = arith.constant 64 : i32
    %add3A_87 = arith.addi %scan3A_54, %add3A_86 : i32
    %swap3A_88 = arith.index_cast %add3A_87 : i32 to index
    %swap3A_89 = tpu.vector_load %arg12[%swap3A_88] {strides = array<i32>} : memref<10240xi32, #tpu.memory_space<vmem>>, vector<16xi32>,
    tpu.vector_store %arg12[%swap3A_88], %broadcast_in_dim3A_45 {strides = array<i32>} : memref<10240xi32, #tpu.memory_space<vmem>>, vector<16xi32>,
    %add3A_90 = arith.constant 64 : i32
    %add3A_91 = arith.addi %scan3A_54, %add3A_90 : i32
    %swap3A_92 = arith.index_cast %add3A_91 : i32 to index
    %swap3A_93 = tpu.vector_load %arg11[%swap3A_92] {strides = array<i32>} : memref<10240xi32, #tpu.memory_space<vmem>>, vector<16xi32>,
    tpu.vector_store %arg11[%swap3A_92], %broadcast_in_dim3A_47 {strides = array<i32>} : memref<10240xi32, #tpu.memory_space<vmem>>, vector<16xi32>,
    %add3A_94 = arith.constant 80 : i32
    %add3A_95 = arith.addi %scan3A_54, %add3A_94 : i32
    %swap3A_96 = arith.index_cast %add3A_95 : i32 to index
    %swap3A_97 = tpu.vector_load %arg12[%swap3A_96] {strides = array<i32>} : memref<10240xi32, #tpu.memory_space<vmem>>, vector<16xi32>,
    tpu.vector_store %arg12[%swap3A_96], %broadcast_in_dim3A_45 {strides = array<i32>} : memref<10240xi32, #tpu.memory_space<vmem>>, vector<16xi32>,
    %add3A_98 = arith.constant 80 : i32
    %add3A_99 = arith.addi %scan3A_54, %add3A_98 : i32
    %swap3A_100 = arith.index_cast %add3A_99 : i32 to index
    %swap3A_101 = tpu.vector_load %arg11[%swap3A_100] {strides = array<i32>} : memref<10240xi32, #tpu.memory_space<vmem>>, vector<16xi32>,
    tpu.vector_store %arg11[%swap3A_100], %broadcast_in_dim3A_47 {strides = array<i32>} : memref<10240xi32, #tpu.memory_space<vmem>>, vector<16xi32>,
    %add3A_102 = arith.constant 96 : i32
    %add3A_103 = arith.addi %scan3A_54, %add3A_102 : i32
    %swap3A_104 = arith.index_cast %add3A_103 : i32 to index
    %swap3A_105 = tpu.vector_load %arg12[%swap3A_104] {strides = array<i32>} : memref<10240xi32, #tpu.memory_space<vmem>>, vector<16xi32>,
    tpu.vector_store %arg12[%swap3A_104], %broadcast_in_dim3A_45 {strides = array<i32>} : memref<10240xi32, #tpu.memory_space<vmem>>, vector<16xi32>,
    %add3A_106 = arith.constant 96 : i32
    %add3A_107 = arith.addi %scan3A_54, %add3A_106 : i32
    %swap3A_108 = arith.index_cast %add3A_107 : i32 to index
    %swap3A_109 = tpu.vector_load %arg11[%swap3A_108] {strides = array<i32>} : memref<10240xi32, #tpu.memory_space<vmem>>, vector<16xi32>,
    tpu.vector_store %arg11[%swap3A_108], %broadcast_in_dim3A_47 {strides = array<i32>} : memref<10240xi32, #tpu.memory_space<vmem>>, vector<16xi32>,
    %add3A_110 = arith.constant 112 : i32
    %add3A_111 = arith.addi %scan3A_54, %add3A_110 : i32
    %swap3A_112 = arith.index_cast %add3A_111 : i32 to index
    %swap3A_113 = tpu.vector_load %arg12[%swap3A_112] {strides = array<i32>} : memref<10240xi32, #tpu.memory_space<vmem>>, vector<16xi32>,
    tpu.vector_store %arg12[%swap3A_112], %broadcast_in_dim3A_45 {strides = array<i32>} : memref<10240xi32, #tpu.memory_space<vmem>>, vector<16xi32>,
    %add3A_114 = arith.constant 112 : i32
    %add3A_115 = arith.addi %scan3A_54, %add3A_114 : i32
    %swap3A_116 = arith.index_cast %add3A_115 : i32 to index
    %swap3A_117 = tpu.vector_load %arg11[%swap3A_116] {strides = array<i32>} : memref<10240xi32, #tpu.memory_space<vmem>>, vector<16xi32>,
    tpu.vector_store %arg11[%swap3A_116], %broadcast_in_dim3A_47 {strides = array<i32>} : memref<10240xi32, #tpu.memory_space<vmem>>, vector<16xi32>,
    %add3A_118 = arith.constant 128 : i32
    %add3A_119 = arith.addi %scan3A_54, %add3A_118 : i32
    %sub3A = arith.constant 1 : i32
    %sub3A_120 = arith.subi %add3A_119, %sub3A : i32
    %jit3A = arith.constant 128 : i32
    %div3A = arith.divsi %sub3A_120, %jit3A : i32
    %sign3A = arith.constant 0 : i32
    %sign3A_121 = arith.cmpi sgt, %sub3A_120, %sign3A : i32
    %sign3A_122 = arith.extui %sign3A_121 : i1 to i32
    %sign3A_123 = arith.constant 0 : i32
    %sign3A_124 = arith.cmpi slt, %sub3A_120, %sign3A_123 : i32
    %sign3A_125 = arith.extui %sign3A_124 : i1 to i32
    %sign3A_126 = arith.subi %sign3A_122, %sign3A_125 : i32
    %sign3A_127 = arith.constant 0 : i32
    %sign3A_128 = arith.cmpi sgt, %jit3A, %sign3A_127 : i32
    %sign3A_129 = arith.extui %sign3A_128 : i1 to i32
    %sign3A_130 = arith.constant 0 : i32
    %sign3A_131 = arith.cmpi slt, %jit3A, %sign3A_130 : i32
    %sign3A_132 = arith.extui %sign3A_131 : i1 to i32
    %sign3A_133 = arith.subi %sign3A_129, %sign3A_132 : i32
    %ne3A = arith.cmpi ne, %sign3A_126, %sign3A_133 : i32
    %rem3A = arith.remsi %sub3A_120, %jit3A : i32
    %ne3A_134 = arith.constant 0 : i32
    %ne3A_135 = arith.cmpi ne, %rem3A, %ne3A_134 : i32
    %and3A = arith.andi %ne3A, %ne3A_135 : i1
    %sub3A_136 = arith.constant 1 : i32
    %sub3A_137 = arith.subi %div3A, %sub3A_136 : i32
    %select_n3A = arith.select %and3A, %sub3A_137, %div3A : i32
    %while3A = arith.constant 0 : i32
    %while3A_138 = arith.constant 0 : i32
    "tpu.trace_start"() <{level = 10 : i32, message = "mainloop"}> : () -> ()
    %while3A_139 = arith.subi %select_n3A, %while3A_138 : i32
    %while3A_140 = arith.addi %while3A_138, %while3A_139 : i32
    %while3A_141 = arith.constant 1 : i32
    %while3A_142 = arith.divsi %while3A_139, %while3A_141 : i32
    %while3A_143 = arith.muli %while3A_142, %while3A_141 : i32
    %while3A_144 = arith.addi %while3A_138, %while3A_143 : i32
    %while3A_145 = arith.constant 1 : i32
    scf.for %while3A_295 = %while3A_138 to %while3A_144 step %while3A_145  : i32 {
      %mul3A_296 = arith.constant 128 : i32
      %mul3A_297 = arith.muli %while3A_295, %mul3A_296 : i32
      %dma_start3A_298 = tpu.memref_slice %arg11[%mul3A_297] : memref<10240xi32, #tpu.memory_space<vmem>> -> memref<128xi32, #tpu.memory_space<vmem>>
      %dma_start3A_299 = arith.constant 0 : i32
      %dma_start3A_300 = arith.constant 0 : i32
      %dma_start3A_301 = tpu.memref_slice %arg2[%dma_start3A_299, %dma_start3A_300] : memref<10000x128xf32, #tpu.memory_space<hbm>> -> memref<10000x128xf32, #tpu.memory_space<hbm>>
      tpu.enqueue_indirect_dma source(%dma_start3A_301 : memref<10000x128xf32, #tpu.memory_space<hbm>>) target(%arg13 : memref<128x128xf32, #tpu.memory_space<vmem>>) offsets(%dma_start3A_298 : memref<128xi32, #tpu.memory_space<vmem>>) semaphore(%arg16 : memref<!tpu.dma_semaphore, #tpu.memory_space<semaphore_mem>>)
      %dma_wait3A_302 = tpu.memref_slice %arg11[%mul3A_297] : memref<10240xi32, #tpu.memory_space<vmem>> -> memref<128xi32, #tpu.memory_space<vmem>>
      %dma_wait3A_303 = arith.constant 0 : i32
      %dma_wait3A_304 = arith.constant 0 : i32
      %dma_wait3A_305 = tpu.memref_slice %arg2[%dma_wait3A_303, %dma_wait3A_304] : memref<10000x128xf32, #tpu.memory_space<hbm>> -> memref<10000x128xf32, #tpu.memory_space<hbm>>
      tpu.wait_indirect_dma semaphore(%arg16 : memref<!tpu.dma_semaphore, #tpu.memory_space<semaphore_mem>>) src(%dma_wait3A_305 : memref<10000x128xf32, #tpu.memory_space<hbm>>) dst(%arg13 : memref<128x128xf32, #tpu.memory_space<vmem>>)
      %mul3A_306 = arith.constant 128 : i32
      %mul3A_307 = arith.muli %while3A_295, %mul3A_306 : i32
      "tpu.region"() ({
        %run_scoped3A = tpu.sem_alloc : memref<!tpu.dma_semaphore, #tpu.memory_space<semaphore_mem>>
        %dma_start3A_308 = tpu.memref_slice %arg12[%mul3A_307] : memref<10240xi32, #tpu.memory_space<vmem>> -> memref<128xi32, #tpu.memory_space<vmem>>
        %dma_start3A_309 = arith.constant 0 : i32
        %dma_start3A_310 = arith.constant 0 : i32
        %dma_start3A_311 = tpu.memref_slice %arg15[%dma_start3A_309, %dma_start3A_310] : memref<5120x128xf32, #tpu.memory_space<vmem_shared>> -> memref<5120x128xf32, #tpu.memory_space<vmem_shared>>
        tpu.enqueue_indirect_dma source(%arg13 : memref<128x128xf32, #tpu.memory_space<vmem>>) target(%dma_start3A_311 : memref<5120x128xf32, #tpu.memory_space<vmem_shared>>) offsets(%dma_start3A_308 : memref<128xi32, #tpu.memory_space<vmem>>) semaphore(%run_scoped3A : memref<!tpu.dma_semaphore, #tpu.memory_space<semaphore_mem>>) {add = true}
        %dma_wait3A_312 = tpu.memref_slice %arg12[%mul3A_307] : memref<10240xi32, #tpu.memory_space<vmem>> -> memref<128xi32, #tpu.memory_space<vmem>>
        %dma_wait3A_313 = arith.constant 0 : i32
        %dma_wait3A_314 = arith.constant 0 : i32
        %dma_wait3A_315 = tpu.memref_slice %arg15[%dma_wait3A_313, %dma_wait3A_314] : memref<5120x128xf32, #tpu.memory_space<vmem_shared>> -> memref<5120x128xf32, #tpu.memory_space<vmem_shared>>
        tpu.wait_indirect_dma semaphore(%run_scoped3A : memref<!tpu.dma_semaphore, #tpu.memory_space<semaphore_mem>>) src(%arg13 : memref<128x128xf32, #tpu.memory_space<vmem>>) dst(%dma_wait3A_315 : memref<5120x128xf32, #tpu.memory_space<vmem_shared>>)
        tpu.yield
      }) : () -> ()
    }
    %while3A_146 = arith.constant 1 : i32
    scf.for %while3A_295 = %while3A_144 to %while3A_140 step %while3A_146  : i32 {
      %mul3A_296 = arith.constant 128 : i32
      %mul3A_297 = arith.muli %while3A_295, %mul3A_296 : i32
      %dma_start3A_298 = tpu.memref_slice %arg11[%mul3A_297] : memref<10240xi32, #tpu.memory_space<vmem>> -> memref<128xi32, #tpu.memory_space<vmem>>
      %dma_start3A_299 = arith.constant 0 : i32
      %dma_start3A_300 = arith.constant 0 : i32
      %dma_start3A_301 = tpu.memref_slice %arg2[%dma_start3A_299, %dma_start3A_300] : memref<10000x128xf32, #tpu.memory_space<hbm>> -> memref<10000x128xf32, #tpu.memory_space<hbm>>
      tpu.enqueue_indirect_dma source(%dma_start3A_301 : memref<10000x128xf32, #tpu.memory_space<hbm>>) target(%arg13 : memref<128x128xf32, #tpu.memory_space<vmem>>) offsets(%dma_start3A_298 : memref<128xi32, #tpu.memory_space<vmem>>) semaphore(%arg16 : memref<!tpu.dma_semaphore, #tpu.memory_space<semaphore_mem>>)
      %dma_wait3A_302 = tpu.memref_slice %arg11[%mul3A_297] : memref<10240xi32, #tpu.memory_space<vmem>> -> memref<128xi32, #tpu.memory_space<vmem>>
      %dma_wait3A_303 = arith.constant 0 : i32
      %dma_wait3A_304 = arith.constant 0 : i32
      %dma_wait3A_305 = tpu.memref_slice %arg2[%dma_wait3A_303, %dma_wait3A_304] : memref<10000x128xf32, #tpu.memory_space<hbm>> -> memref<10000x128xf32, #tpu.memory_space<hbm>>
      tpu.wait_indirect_dma semaphore(%arg16 : memref<!tpu.dma_semaphore, #tpu.memory_space<semaphore_mem>>) src(%dma_wait3A_305 : memref<10000x128xf32, #tpu.memory_space<hbm>>) dst(%arg13 : memref<128x128xf32, #tpu.memory_space<vmem>>)
      %mul3A_306 = arith.constant 128 : i32
      %mul3A_307 = arith.muli %while3A_295, %mul3A_306 : i32
      "tpu.region"() ({
        %run_scoped3A = tpu.sem_alloc : memref<!tpu.dma_semaphore, #tpu.memory_space<semaphore_mem>>
        %dma_start3A_308 = tpu.memref_slice %arg12[%mul3A_307] : memref<10240xi32, #tpu.memory_space<vmem>> -> memref<128xi32, #tpu.memory_space<vmem>>
        %dma_start3A_309 = arith.constant 0 : i32
        %dma_start3A_310 = arith.constant 0 : i32
        %dma_start3A_311 = tpu.memref_slice %arg15[%dma_start3A_309, %dma_start3A_310] : memref<5120x128xf32, #tpu.memory_space<vmem_shared>> -> memref<5120x128xf32, #tpu.memory_space<vmem_shared>>
        tpu.enqueue_indirect_dma source(%arg13 : memref<128x128xf32, #tpu.memory_space<vmem>>) target(%dma_start3A_311 : memref<5120x128xf32, #tpu.memory_space<vmem_shared>>) offsets(%dma_start3A_308 : memref<128xi32, #tpu.memory_space<vmem>>) semaphore(%run_scoped3A : memref<!tpu.dma_semaphore, #tpu.memory_space<semaphore_mem>>) {add = true}
        %dma_wait3A_312 = tpu.memref_slice %arg12[%mul3A_307] : memref<10240xi32, #tpu.memory_space<vmem>> -> memref<128xi32, #tpu.memory_space<vmem>>
        %dma_wait3A_313 = arith.constant 0 : i32
        %dma_wait3A_314 = arith.constant 0 : i32
        %dma_wait3A_315 = tpu.memref_slice %arg15[%dma_wait3A_313, %dma_wait3A_314] : memref<5120x128xf32, #tpu.memory_space<vmem_shared>> -> memref<5120x128xf32, #tpu.memory_space<vmem_shared>>
        tpu.wait_indirect_dma semaphore(%run_scoped3A : memref<!tpu.dma_semaphore, #tpu.memory_space<semaphore_mem>>) src(%arg13 : memref<128x128xf32, #tpu.memory_space<vmem>>) dst(%dma_wait3A_315 : memref<5120x128xf32, #tpu.memory_space<vmem_shared>>)
        tpu.yield
      }) : () -> ()
    }
    %dma_start3A_147 = arith.constant 1 : i32
    "tpu.trace_stop"() : () -> ()
    "tpu.trace_start"() <{level = 10 : i32, message = "stage"}> : () -> ()
    %dma_start3A_148 = arith.constant 0 : i32
    %dma_start3A_149 = arith.constant 0 : i32
    %dma_start3A_150 = tpu.memref_slice %arg3[%arg1, %dma_start3A_147, %dma_start3A_148, %dma_start3A_149] : memref<16x2x79x128xi32, #tpu.memory_space<hbm>> -> memref<1x1x79x128xi32, #tpu.memory_space<hbm>>
    %dma_start3A_151 = tpu.memref_squeeze %dma_start3A_150 : memref<1x1x79x128xi32, #tpu.memory_space<hbm>> -> memref<79x128xi32, #tpu.memory_space<hbm>>
    %dma_start3A_152 = arith.constant 0 : i32
    %dma_start3A_153 = arith.constant 0 : i32
    %dma_start3A_154 = tpu.memref_slice %arg3[%arg1, %dma_start3A_147, %dma_start3A_152, %dma_start3A_153] : memref<16x2x79x128xi32, #tpu.memory_space<hbm>> -> memref<1x1x79x128xi32, #tpu.memory_space<hbm>>
    %dma_start3A_155 = tpu.memref_squeeze %dma_start3A_154 : memref<1x1x79x128xi32, #tpu.memory_space<hbm>> -> memref<79x128xi32, #tpu.memory_space<hbm>>
    tpu.enqueue_dma source(%dma_start3A_155 : memref<79x128xi32, #tpu.memory_space<hbm>>) target(%arg9 : memref<79x128xi32, #tpu.memory_space<vmem>>) target_semaphore(%arg17 : memref<!tpu.dma_semaphore, #tpu.memory_space<semaphore_mem>>)
    %dma_start3A_156 = arith.constant 1 : i32
    %dma_start3A_157 = arith.constant 0 : i32
    %dma_start3A_158 = arith.constant 0 : i32
    %dma_start3A_159 = tpu.memref_slice %arg4[%arg1, %dma_start3A_156, %dma_start3A_157, %dma_start3A_158] : memref<16x2x79x128xi32, #tpu.memory_space<hbm>> -> memref<1x1x79x128xi32, #tpu.memory_space<hbm>>
    %dma_start3A_160 = tpu.memref_squeeze %dma_start3A_159 : memref<1x1x79x128xi32, #tpu.memory_space<hbm>> -> memref<79x128xi32, #tpu.memory_space<hbm>>
    %dma_start3A_161 = arith.constant 0 : i32
    %dma_start3A_162 = arith.constant 0 : i32
    %dma_start3A_163 = tpu.memref_slice %arg4[%arg1, %dma_start3A_156, %dma_start3A_161, %dma_start3A_162] : memref<16x2x79x128xi32, #tpu.memory_space<hbm>> -> memref<1x1x79x128xi32, #tpu.memory_space<hbm>>
    %dma_start3A_164 = tpu.memref_squeeze %dma_start3A_163 : memref<1x1x79x128xi32, #tpu.memory_space<hbm>> -> memref<79x128xi32, #tpu.memory_space<hbm>>
    tpu.enqueue_dma source(%dma_start3A_164 : memref<79x128xi32, #tpu.memory_space<hbm>>) target(%arg10 : memref<79x128xi32, #tpu.memory_space<vmem>>) target_semaphore(%arg18 : memref<!tpu.dma_semaphore, #tpu.memory_space<semaphore_mem>>)
    %dma_wait3A_165 = arith.constant 1 : i32
    %dma_wait3A_166 = arith.constant 0 : i32
    %dma_wait3A_167 = arith.constant 0 : i32
    %dma_wait3A_168 = tpu.memref_slice %arg3[%arg1, %dma_wait3A_165, %dma_wait3A_166, %dma_wait3A_167] : memref<16x2x79x128xi32, #tpu.memory_space<hbm>> -> memref<1x1x79x128xi32, #tpu.memory_space<hbm>>
    %dma_wait3A_169 = tpu.memref_squeeze %dma_wait3A_168 : memref<1x1x79x128xi32, #tpu.memory_space<hbm>> -> memref<79x128xi32, #tpu.memory_space<hbm>>
    %dma_wait3A_170 = arith.constant 0 : i32
    %dma_wait3A_171 = arith.constant 0 : i32
    %dma_wait3A_172 = tpu.memref_slice %arg3[%arg1, %dma_wait3A_165, %dma_wait3A_170, %dma_wait3A_171] : memref<16x2x79x128xi32, #tpu.memory_space<hbm>> -> memref<1x1x79x128xi32, #tpu.memory_space<hbm>>
    %dma_wait3A_173 = tpu.memref_squeeze %dma_wait3A_172 : memref<1x1x79x128xi32, #tpu.memory_space<hbm>> -> memref<79x128xi32, #tpu.memory_space<hbm>>
    tpu.wait_dma2 semaphore(%arg17 : memref<!tpu.dma_semaphore, #tpu.memory_space<semaphore_mem>>) src(%dma_wait3A_173 : memref<79x128xi32, #tpu.memory_space<hbm>>) dst(%arg9 : memref<79x128xi32, #tpu.memory_space<vmem>>)
    %dma_wait3A_174 = arith.constant 1 : i32
    %dma_wait3A_175 = arith.constant 0 : i32
    %dma_wait3A_176 = arith.constant 0 : i32
    %dma_wait3A_177 = tpu.memref_slice %arg4[%arg1, %dma_wait3A_174, %dma_wait3A_175, %dma_wait3A_176] : memref<16x2x79x128xi32, #tpu.memory_space<hbm>> -> memref<1x1x79x128xi32, #tpu.memory_space<hbm>>
    %dma_wait3A_178 = tpu.memref_squeeze %dma_wait3A_177 : memref<1x1x79x128xi32, #tpu.memory_space<hbm>> -> memref<79x128xi32, #tpu.memory_space<hbm>>
    %dma_wait3A_179 = arith.constant 0 : i32
    %dma_wait3A_180 = arith.constant 0 : i32
    %dma_wait3A_181 = tpu.memref_slice %arg4[%arg1, %dma_wait3A_174, %dma_wait3A_179, %dma_wait3A_180] : memref<16x2x79x128xi32, #tpu.memory_space<hbm>> -> memref<1x1x79x128xi32, #tpu.memory_space<hbm>>
    %dma_wait3A_182 = tpu.memref_squeeze %dma_wait3A_181 : memref<1x1x79x128xi32, #tpu.memory_space<hbm>> -> memref<79x128xi32, #tpu.memory_space<hbm>>
    tpu.wait_dma2 semaphore(%arg18 : memref<!tpu.dma_semaphore, #tpu.memory_space<semaphore_mem>>) src(%dma_wait3A_182 : memref<79x128xi32, #tpu.memory_space<hbm>>) dst(%arg10 : memref<79x128xi32, #tpu.memory_space<vmem>>)
    "tpu.trace_stop"() : () -> ()
    "tpu.trace_start"() <{level = 10 : i32, message = "compact"}> : () -> ()
    %scan3A_183 = arith.constant 0 : i32
    %scan3A_184 = arith.constant 0 : i32
    %scan3A_185 = arith.constant 632 : i32
    %scan3A_186 = arith.addi %scan3A_184, %scan3A_185 : i32
    %scan3A_187 = arith.constant 1 : i32
    %scan3A_188 = scf.for %scan3A_295 = %scan3A_184 to %scan3A_186 step %scan3A_187 iter_args(%scan3A_296 = %scan3A_183) -> (i32)  : i32 {
      %jit3A_297 = arith.constant 8 : i32
      %div3A_298 = arith.divsi %scan3A_295, %jit3A_297 : i32
      %sign3A_299 = arith.constant 0 : i32
      %sign3A_300 = arith.cmpi sgt, %scan3A_295, %sign3A_299 : i32
      %sign3A_301 = arith.extui %sign3A_300 : i1 to i32
      %sign3A_302 = arith.constant 0 : i32
      %sign3A_303 = arith.cmpi slt, %scan3A_295, %sign3A_302 : i32
      %sign3A_304 = arith.extui %sign3A_303 : i1 to i32
      %sign3A_305 = arith.subi %sign3A_301, %sign3A_304 : i32
      %sign3A_306 = arith.constant 0 : i32
      %sign3A_307 = arith.cmpi sgt, %jit3A_297, %sign3A_306 : i32
      %sign3A_308 = arith.extui %sign3A_307 : i1 to i32
      %sign3A_309 = arith.constant 0 : i32
      %sign3A_310 = arith.cmpi slt, %jit3A_297, %sign3A_309 : i32
      %sign3A_311 = arith.extui %sign3A_310 : i1 to i32
      %sign3A_312 = arith.subi %sign3A_308, %sign3A_311 : i32
      %ne3A_313 = arith.cmpi ne, %sign3A_305, %sign3A_312 : i32
      %rem3A_314 = arith.remsi %scan3A_295, %jit3A_297 : i32
      %ne3A_315 = arith.constant 0 : i32
      %ne3A_316 = arith.cmpi ne, %rem3A_314, %ne3A_315 : i32
      %and3A_317 = arith.andi %ne3A_313, %ne3A_316 : i1
      %sub3A_318 = arith.constant 1 : i32
      %sub3A_319 = arith.subi %div3A_298, %sub3A_318 : i32
      %select_n3A_320 = arith.select %and3A_317, %sub3A_319, %div3A_298 : i32
      %mul3A_321 = arith.constant 8 : i32
      %mul3A_322 = arith.muli %select_n3A_320, %mul3A_321 : i32
      %sub3A_323 = arith.subi %scan3A_295, %mul3A_322 : i32
      %mul3A_324 = arith.constant 16 : i32
      %mul3A_325 = arith.muli %sub3A_323, %mul3A_324 : i32
      %get3A = arith.index_cast %select_n3A_320 : i32 to index
      %get3A_326 = arith.index_cast %mul3A_325 : i32 to index
      %get3A_327 = tpu.vector_load %arg10[%get3A, %get3A_326] {strides = array<i32>} : memref<79x128xi32, #tpu.memory_space<vmem>>, vector<16xi32>,
      %mul3A_328 = arith.constant 16 : i32
      %mul3A_329 = arith.muli %sub3A_323, %mul3A_328 : i32
      %get3A_330 = arith.index_cast %select_n3A_320 : i32 to index
      %get3A_331 = arith.index_cast %mul3A_329 : i32 to index
      %get3A_332 = tpu.vector_load %arg9[%get3A_330, %get3A_331] {strides = array<i32>} : memref<79x128xi32, #tpu.memory_space<vmem>>, vector<16xi32>,
      %eq3A_333 = arith.constant 0 : i32
      %eq3A_334 = arith.cmpi eq, %arg0, %eq3A_333 : i32
      %convert_element_type3A_335 = arith.extui %eq3A_334 : i1 to i32
      %cond3A_336 = arith.constant 0 : i32
      %cond3A_337 = arith.cmpi ne, %convert_element_type3A_335, %cond3A_336 : i32
      scf.if %cond3A_337 {
        tpu.vector_store_idx %arg14[%get3A_327], %broadcast_in_dim3A_43 {add = true} : memref<10016xf32, #tpu.memory_space<vmem>>[vector<16xi32>], vector<16xf32>,
      } else {
      }
      %sub3A_338 = vector.broadcast %mul3A_49 : i32 to vector<16xi32>
      %sub3A_339 = arith.subi %get3A_327, %sub3A_338 : vector<16xi32>
      %ge3A = arith.constant 0 : i32
      %ge3A_340 = vector.broadcast %ge3A : i32 to vector<16xi32>
      %ge3A_341 = arith.cmpi sge, %sub3A_339, %ge3A_340 : vector<16xi32>
      %lt3A = arith.constant 5000 : i32
      %lt3A_342 = vector.broadcast %lt3A : i32 to vector<16xi32>
      %lt3A_343 = arith.cmpi slt, %sub3A_339, %lt3A_342 : vector<16xi32>
      %and3A_344 = arith.andi %ge3A_341, %lt3A_343 : vector<16xi1>
      %swap3A_345 = arith.index_cast %scan3A_296 : i32 to index
      %swap3A_346 = tpu.vector_load %arg12[%swap3A_345] masked %and3A_344 {strides = array<i32>} : memref<10240xi32, #tpu.memory_space<vmem>>, vector<16xi32>, vector<16xi1>
      tpu.vector_store %arg12[%swap3A_345], %sub3A_339 masked %and3A_344 {strides = array<i32>} : memref<10240xi32, #tpu.memory_space<vmem>>, vector<16xi32>, vector<16xi1>
      %swap3A_347 = arith.index_cast %scan3A_296 : i32 to index
      %swap3A_348 = tpu.vector_load %arg11[%swap3A_347] masked %and3A_344 {strides = array<i32>} : memref<10240xi32, #tpu.memory_space<vmem>>, vector<16xi32>, vector<16xi1>
      tpu.vector_store %arg11[%swap3A_347], %get3A_332 masked %and3A_344 {strides = array<i32>} : memref<10240xi32, #tpu.memory_space<vmem>>, vector<16xi32>, vector<16xi1>
      %jit3A_349 = arith.constant 1 : i32
      %jit3A_350 = arith.constant 0 : i32
      %broadcast_in_dim3A_351 = vector.broadcast %jit3A_349 : i32 to vector<16xi32>
      %broadcast_in_dim3A_352 = vector.broadcast %jit3A_350 : i32 to vector<16xi32>
      %select_n3A_353 = arith.select %and3A_344, %broadcast_in_dim3A_351, %broadcast_in_dim3A_352 : vector<16xi1>, vector<16xi32>
      %reduce_sum3A = arith.constant true
      %reduce_sum3A_354 = vector.broadcast %reduce_sum3A : i1 to vector<16xi1>
      %reduce_sum3A_355 = tpu.scan <sum>, %select_n3A_353 masked %reduce_sum3A_354 : vector<16xi32>, vector<16xi1> -> vector<16xi32>
      %reduce_sum3A_356 = vector.extract %reduce_sum3A_355[15] : i32 from vector<16xi32>
      %add3A_357 = arith.addi %scan3A_296, %reduce_sum3A_356 : i32
      scf.yield %add3A_357 : i32
    }
    %scan3A_189 = arith.constant 632 : i32
    "tpu.trace_stop"() : () -> ()
    %add3A_190 = arith.constant 0 : i32
    %add3A_191 = arith.addi %scan3A_188, %add3A_190 : i32
    %swap3A_192 = arith.index_cast %add3A_191 : i32 to index
    %swap3A_193 = tpu.vector_load %arg12[%swap3A_192] {strides = array<i32>} : memref<10240xi32, #tpu.memory_space<vmem>>, vector<16xi32>,
    tpu.vector_store %arg12[%swap3A_192], %broadcast_in_dim3A_45 {strides = array<i32>} : memref<10240xi32, #tpu.memory_space<vmem>>, vector<16xi32>,
    %add3A_194 = arith.constant 0 : i32
    %add3A_195 = arith.addi %scan3A_188, %add3A_194 : i32
    %swap3A_196 = arith.index_cast %add3A_195 : i32 to index
    %swap3A_197 = tpu.vector_load %arg11[%swap3A_196] {strides = array<i32>} : memref<10240xi32, #tpu.memory_space<vmem>>, vector<16xi32>,
    tpu.vector_store %arg11[%swap3A_196], %broadcast_in_dim3A_47 {strides = array<i32>} : memref<10240xi32, #tpu.memory_space<vmem>>, vector<16xi32>,
    %add3A_198 = arith.constant 16 : i32
    %add3A_199 = arith.addi %scan3A_188, %add3A_198 : i32
    %swap3A_200 = arith.index_cast %add3A_199 : i32 to index
    %swap3A_201 = tpu.vector_load %arg12[%swap3A_200] {strides = array<i32>} : memref<10240xi32, #tpu.memory_space<vmem>>, vector<16xi32>,
    tpu.vector_store %arg12[%swap3A_200], %broadcast_in_dim3A_45 {strides = array<i32>} : memref<10240xi32, #tpu.memory_space<vmem>>, vector<16xi32>,
    %add3A_202 = arith.constant 16 : i32
    %add3A_203 = arith.addi %scan3A_188, %add3A_202 : i32
    %swap3A_204 = arith.index_cast %add3A_203 : i32 to index
    %swap3A_205 = tpu.vector_load %arg11[%swap3A_204] {strides = array<i32>} : memref<10240xi32, #tpu.memory_space<vmem>>, vector<16xi32>,
    tpu.vector_store %arg11[%swap3A_204], %broadcast_in_dim3A_47 {strides = array<i32>} : memref<10240xi32, #tpu.memory_space<vmem>>, vector<16xi32>,
    %add3A_206 = arith.constant 32 : i32
    %add3A_207 = arith.addi %scan3A_188, %add3A_206 : i32
    %swap3A_208 = arith.index_cast %add3A_207 : i32 to index
    %swap3A_209 = tpu.vector_load %arg12[%swap3A_208] {strides = array<i32>} : memref<10240xi32, #tpu.memory_space<vmem>>, vector<16xi32>,
    tpu.vector_store %arg12[%swap3A_208], %broadcast_in_dim3A_45 {strides = array<i32>} : memref<10240xi32, #tpu.memory_space<vmem>>, vector<16xi32>,
    %add3A_210 = arith.constant 32 : i32
    %add3A_211 = arith.addi %scan3A_188, %add3A_210 : i32
    %swap3A_212 = arith.index_cast %add3A_211 : i32 to index
    %swap3A_213 = tpu.vector_load %arg11[%swap3A_212] {strides = array<i32>} : memref<10240xi32, #tpu.memory_space<vmem>>, vector<16xi32>,
    tpu.vector_store %arg11[%swap3A_212], %broadcast_in_dim3A_47 {strides = array<i32>} : memref<10240xi32, #tpu.memory_space<vmem>>, vector<16xi32>,
    %add3A_214 = arith.constant 48 : i32
    %add3A_215 = arith.addi %scan3A_188, %add3A_214 : i32
    %swap3A_216 = arith.index_cast %add3A_215 : i32 to index
    %swap3A_217 = tpu.vector_load %arg12[%swap3A_216] {strides = array<i32>} : memref<10240xi32, #tpu.memory_space<vmem>>, vector<16xi32>,
    tpu.vector_store %arg12[%swap3A_216], %broadcast_in_dim3A_45 {strides = array<i32>} : memref<10240xi32, #tpu.memory_space<vmem>>, vector<16xi32>,
    %add3A_218 = arith.constant 48 : i32
    %add3A_219 = arith.addi %scan3A_188, %add3A_218 : i32
    %swap3A_220 = arith.index_cast %add3A_219 : i32 to index
    %swap3A_221 = tpu.vector_load %arg11[%swap3A_220] {strides = array<i32>} : memref<10240xi32, #tpu.memory_space<vmem>>, vector<16xi32>,
    tpu.vector_store %arg11[%swap3A_220], %broadcast_in_dim3A_47 {strides = array<i32>} : memref<10240xi32, #tpu.memory_space<vmem>>, vector<16xi32>,
    %add3A_222 = arith.constant 64 : i32
    %add3A_223 = arith.addi %scan3A_188, %add3A_222 : i32
    %swap3A_224 = arith.index_cast %add3A_223 : i32 to index
    %swap3A_225 = tpu.vector_load %arg12[%swap3A_224] {strides = array<i32>} : memref<10240xi32, #tpu.memory_space<vmem>>, vector<16xi32>,
    tpu.vector_store %arg12[%swap3A_224], %broadcast_in_dim3A_45 {strides = array<i32>} : memref<10240xi32, #tpu.memory_space<vmem>>, vector<16xi32>,
    %add3A_226 = arith.constant 64 : i32
    %add3A_227 = arith.addi %scan3A_188, %add3A_226 : i32
    %swap3A_228 = arith.index_cast %add3A_227 : i32 to index
    %swap3A_229 = tpu.vector_load %arg11[%swap3A_228] {strides = array<i32>} : memref<10240xi32, #tpu.memory_space<vmem>>, vector<16xi32>,
    tpu.vector_store %arg11[%swap3A_228], %broadcast_in_dim3A_47 {strides = array<i32>} : memref<10240xi32, #tpu.memory_space<vmem>>, vector<16xi32>,
    %add3A_230 = arith.constant 80 : i32
    %add3A_231 = arith.addi %scan3A_188, %add3A_230 : i32
    %swap3A_232 = arith.index_cast %add3A_231 : i32 to index
    %swap3A_233 = tpu.vector_load %arg12[%swap3A_232] {strides = array<i32>} : memref<10240xi32, #tpu.memory_space<vmem>>, vector<16xi32>,
    tpu.vector_store %arg12[%swap3A_232], %broadcast_in_dim3A_45 {strides = array<i32>} : memref<10240xi32, #tpu.memory_space<vmem>>, vector<16xi32>,
    %add3A_234 = arith.constant 80 : i32
    %add3A_235 = arith.addi %scan3A_188, %add3A_234 : i32
    %swap3A_236 = arith.index_cast %add3A_235 : i32 to index
    %swap3A_237 = tpu.vector_load %arg11[%swap3A_236] {strides = array<i32>} : memref<10240xi32, #tpu.memory_space<vmem>>, vector<16xi32>,
    tpu.vector_store %arg11[%swap3A_236], %broadcast_in_dim3A_47 {strides = array<i32>} : memref<10240xi32, #tpu.memory_space<vmem>>, vector<16xi32>,
    %add3A_238 = arith.constant 96 : i32
    %add3A_239 = arith.addi %scan3A_188, %add3A_238 : i32
    %swap3A_240 = arith.index_cast %add3A_239 : i32 to index
    %swap3A_241 = tpu.vector_load %arg12[%swap3A_240] {strides = array<i32>} : memref<10240xi32, #tpu.memory_space<vmem>>, vector<16xi32>,
    tpu.vector_store %arg12[%swap3A_240], %broadcast_in_dim3A_45 {strides = array<i32>} : memref<10240xi32, #tpu.memory_space<vmem>>, vector<16xi32>,
    %add3A_242 = arith.constant 96 : i32
    %add3A_243 = arith.addi %scan3A_188, %add3A_242 : i32
    %swap3A_244 = arith.index_cast %add3A_243 : i32 to index
    %swap3A_245 = tpu.vector_load %arg11[%swap3A_244] {strides = array<i32>} : memref<10240xi32, #tpu.memory_space<vmem>>, vector<16xi32>,
    tpu.vector_store %arg11[%swap3A_244], %broadcast_in_dim3A_47 {strides = array<i32>} : memref<10240xi32, #tpu.memory_space<vmem>>, vector<16xi32>,
    %add3A_246 = arith.constant 112 : i32
    %add3A_247 = arith.addi %scan3A_188, %add3A_246 : i32
    %swap3A_248 = arith.index_cast %add3A_247 : i32 to index
    %swap3A_249 = tpu.vector_load %arg12[%swap3A_248] {strides = array<i32>} : memref<10240xi32, #tpu.memory_space<vmem>>, vector<16xi32>,
    tpu.vector_store %arg12[%swap3A_248], %broadcast_in_dim3A_45 {strides = array<i32>} : memref<10240xi32, #tpu.memory_space<vmem>>, vector<16xi32>,
    %add3A_250 = arith.constant 112 : i32
    %add3A_251 = arith.addi %scan3A_188, %add3A_250 : i32
    %swap3A_252 = arith.index_cast %add3A_251 : i32 to index
    %swap3A_253 = tpu.vector_load %arg11[%swap3A_252] {strides = array<i32>} : memref<10240xi32, #tpu.memory_space<vmem>>, vector<16xi32>,
    tpu.vector_store %arg11[%swap3A_252], %broadcast_in_dim3A_47 {strides = array<i32>} : memref<10240xi32, #tpu.memory_space<vmem>>, vector<16xi32>,
    %add3A_254 = arith.constant 128 : i32
    %add3A_255 = arith.addi %scan3A_188, %add3A_254 : i32
    %sub3A_256 = arith.constant 1 : i32
    %sub3A_257 = arith.subi %add3A_255, %sub3A_256 : i32
    %jit3A_258 = arith.constant 128 : i32
    %div3A_259 = arith.divsi %sub3A_257, %jit3A_258 : i32
    %sign3A_260 = arith.constant 0 : i32
    %sign3A_261 = arith.cmpi sgt, %sub3A_257, %sign3A_260 : i32
    %sign3A_262 = arith.extui %sign3A_261 : i1 to i32
    %sign3A_263 = arith.constant 0 : i32
    %sign3A_264 = arith.cmpi slt, %sub3A_257, %sign3A_263 : i32
    %sign3A_265 = arith.extui %sign3A_264 : i1 to i32
    %sign3A_266 = arith.subi %sign3A_262, %sign3A_265 : i32
    %sign3A_267 = arith.constant 0 : i32
    %sign3A_268 = arith.cmpi sgt, %jit3A_258, %sign3A_267 : i32
    %sign3A_269 = arith.extui %sign3A_268 : i1 to i32
    %sign3A_270 = arith.constant 0 : i32
    %sign3A_271 = arith.cmpi slt, %jit3A_258, %sign3A_270 : i32
    %sign3A_272 = arith.extui %sign3A_271 : i1 to i32
    %sign3A_273 = arith.subi %sign3A_269, %sign3A_272 : i32
    %ne3A_274 = arith.cmpi ne, %sign3A_266, %sign3A_273 : i32
    %rem3A_275 = arith.remsi %sub3A_257, %jit3A_258 : i32
    %ne3A_276 = arith.constant 0 : i32
    %ne3A_277 = arith.cmpi ne, %rem3A_275, %ne3A_276 : i32
    %and3A_278 = arith.andi %ne3A_274, %ne3A_277 : i1
    %sub3A_279 = arith.constant 1 : i32
    %sub3A_280 = arith.subi %div3A_259, %sub3A_279 : i32
    %select_n3A_281 = arith.select %and3A_278, %sub3A_280, %div3A_259 : i32
    %while3A_282 = arith.constant 0 : i32
    %while3A_283 = arith.constant 0 : i32
    "tpu.trace_start"() <{level = 10 : i32, message = "mainloop"}> : () -> ()
    %while3A_284 = arith.subi %select_n3A_281, %while3A_283 : i32
    %while3A_285 = arith.addi %while3A_283, %while3A_284 : i32
    %while3A_286 = arith.constant 1 : i32
    %while3A_287 = arith.divsi %while3A_284, %while3A_286 : i32
    %while3A_288 = arith.muli %while3A_287, %while3A_286 : i32
    %while3A_289 = arith.addi %while3A_283, %while3A_288 : i32
    %while3A_290 = arith.constant 1 : i32
    scf.for %while3A_295 = %while3A_283 to %while3A_289 step %while3A_290  : i32 {
      %mul3A_296 = arith.constant 128 : i32
      %mul3A_297 = arith.muli %while3A_295, %mul3A_296 : i32
      %dma_start3A_298 = tpu.memref_slice %arg11[%mul3A_297] : memref<10240xi32, #tpu.memory_space<vmem>> -> memref<128xi32, #tpu.memory_space<vmem>>
      %dma_start3A_299 = arith.constant 0 : i32
      %dma_start3A_300 = arith.constant 0 : i32
      %dma_start3A_301 = tpu.memref_slice %arg2[%dma_start3A_299, %dma_start3A_300] : memref<10000x128xf32, #tpu.memory_space<hbm>> -> memref<10000x128xf32, #tpu.memory_space<hbm>>
      tpu.enqueue_indirect_dma source(%dma_start3A_301 : memref<10000x128xf32, #tpu.memory_space<hbm>>) target(%arg13 : memref<128x128xf32, #tpu.memory_space<vmem>>) offsets(%dma_start3A_298 : memref<128xi32, #tpu.memory_space<vmem>>) semaphore(%arg16 : memref<!tpu.dma_semaphore, #tpu.memory_space<semaphore_mem>>)
      %dma_wait3A_302 = tpu.memref_slice %arg11[%mul3A_297] : memref<10240xi32, #tpu.memory_space<vmem>> -> memref<128xi32, #tpu.memory_space<vmem>>
      %dma_wait3A_303 = arith.constant 0 : i32
      %dma_wait3A_304 = arith.constant 0 : i32
      %dma_wait3A_305 = tpu.memref_slice %arg2[%dma_wait3A_303, %dma_wait3A_304] : memref<10000x128xf32, #tpu.memory_space<hbm>> -> memref<10000x128xf32, #tpu.memory_space<hbm>>
      tpu.wait_indirect_dma semaphore(%arg16 : memref<!tpu.dma_semaphore, #tpu.memory_space<semaphore_mem>>) src(%dma_wait3A_305 : memref<10000x128xf32, #tpu.memory_space<hbm>>) dst(%arg13 : memref<128x128xf32, #tpu.memory_space<vmem>>)
      %mul3A_306 = arith.constant 128 : i32
      %mul3A_307 = arith.muli %while3A_295, %mul3A_306 : i32
      "tpu.region"() ({
        %run_scoped3A = tpu.sem_alloc : memref<!tpu.dma_semaphore, #tpu.memory_space<semaphore_mem>>
        %dma_start3A_308 = tpu.memref_slice %arg12[%mul3A_307] : memref<10240xi32, #tpu.memory_space<vmem>> -> memref<128xi32, #tpu.memory_space<vmem>>
        %dma_start3A_309 = arith.constant 0 : i32
        %dma_start3A_310 = arith.constant 0 : i32
        %dma_start3A_311 = tpu.memref_slice %arg15[%dma_start3A_309, %dma_start3A_310] : memref<5120x128xf32, #tpu.memory_space<vmem_shared>> -> memref<5120x128xf32, #tpu.memory_space<vmem_shared>>
        tpu.enqueue_indirect_dma source(%arg13 : memref<128x128xf32, #tpu.memory_space<vmem>>) target(%dma_start3A_311 : memref<5120x128xf32, #tpu.memory_space<vmem_shared>>) offsets(%dma_start3A_308 : memref<128xi32, #tpu.memory_space<vmem>>) semaphore(%run_scoped3A : memref<!tpu.dma_semaphore, #tpu.memory_space<semaphore_mem>>) {add = true}
        %dma_wait3A_312 = tpu.memref_slice %arg12[%mul3A_307] : memref<10240xi32, #tpu.memory_space<vmem>> -> memref<128xi32, #tpu.memory_space<vmem>>
        %dma_wait3A_313 = arith.constant 0 : i32
        %dma_wait3A_314 = arith.constant 0 : i32
        %dma_wait3A_315 = tpu.memref_slice %arg15[%dma_wait3A_313, %dma_wait3A_314] : memref<5120x128xf32, #tpu.memory_space<vmem_shared>> -> memref<5120x128xf32, #tpu.memory_space<vmem_shared>>
        tpu.wait_indirect_dma semaphore(%run_scoped3A : memref<!tpu.dma_semaphore, #tpu.memory_space<semaphore_mem>>) src(%arg13 : memref<128x128xf32, #tpu.memory_space<vmem>>) dst(%dma_wait3A_315 : memref<5120x128xf32, #tpu.memory_space<vmem_shared>>)
        tpu.yield
      }) : () -> ()
    }
    %while3A_291 = arith.constant 1 : i32
    scf.for %while3A_295 = %while3A_289 to %while3A_285 step %while3A_291  : i32 {
      %mul3A_296 = arith.constant 128 : i32
      %mul3A_297 = arith.muli %while3A_295, %mul3A_296 : i32
      %dma_start3A_298 = tpu.memref_slice %arg11[%mul3A_297] : memref<10240xi32, #tpu.memory_space<vmem>> -> memref<128xi32, #tpu.memory_space<vmem>>
      %dma_start3A_299 = arith.constant 0 : i32
      %dma_start3A_300 = arith.constant 0 : i32
      %dma_start3A_301 = tpu.memref_slice %arg2[%dma_start3A_299, %dma_start3A_300] : memref<10000x128xf32, #tpu.memory_space<hbm>> -> memref<10000x128xf32, #tpu.memory_space<hbm>>
      tpu.enqueue_indirect_dma source(%dma_start3A_301 : memref<10000x128xf32, #tpu.memory_space<hbm>>) target(%arg13 : memref<128x128xf32, #tpu.memory_space<vmem>>) offsets(%dma_start3A_298 : memref<128xi32, #tpu.memory_space<vmem>>) semaphore(%arg16 : memref<!tpu.dma_semaphore, #tpu.memory_space<semaphore_mem>>)
      %dma_wait3A_302 = tpu.memref_slice %arg11[%mul3A_297] : memref<10240xi32, #tpu.memory_space<vmem>> -> memref<128xi32, #tpu.memory_space<vmem>>
      %dma_wait3A_303 = arith.constant 0 : i32
      %dma_wait3A_304 = arith.constant 0 : i32
      %dma_wait3A_305 = tpu.memref_slice %arg2[%dma_wait3A_303, %dma_wait3A_304] : memref<10000x128xf32, #tpu.memory_space<hbm>> -> memref<10000x128xf32, #tpu.memory_space<hbm>>
      tpu.wait_indirect_dma semaphore(%arg16 : memref<!tpu.dma_semaphore, #tpu.memory_space<semaphore_mem>>) src(%dma_wait3A_305 : memref<10000x128xf32, #tpu.memory_space<hbm>>) dst(%arg13 : memref<128x128xf32, #tpu.memory_space<vmem>>)
      %mul3A_306 = arith.constant 128 : i32
      %mul3A_307 = arith.muli %while3A_295, %mul3A_306 : i32
      "tpu.region"() ({
        %run_scoped3A = tpu.sem_alloc : memref<!tpu.dma_semaphore, #tpu.memory_space<semaphore_mem>>
        %dma_start3A_308 = tpu.memref_slice %arg12[%mul3A_307] : memref<10240xi32, #tpu.memory_space<vmem>> -> memref<128xi32, #tpu.memory_space<vmem>>
        %dma_start3A_309 = arith.constant 0 : i32
        %dma_start3A_310 = arith.constant 0 : i32
        %dma_start3A_311 = tpu.memref_slice %arg15[%dma_start3A_309, %dma_start3A_310] : memref<5120x128xf32, #tpu.memory_space<vmem_shared>> -> memref<5120x128xf32, #tpu.memory_space<vmem_shared>>
        tpu.enqueue_indirect_dma source(%arg13 : memref<128x128xf32, #tpu.memory_space<vmem>>) target(%dma_start3A_311 : memref<5120x128xf32, #tpu.memory_space<vmem_shared>>) offsets(%dma_start3A_308 : memref<128xi32, #tpu.memory_space<vmem>>) semaphore(%run_scoped3A : memref<!tpu.dma_semaphore, #tpu.memory_space<semaphore_mem>>) {add = true}
        %dma_wait3A_312 = tpu.memref_slice %arg12[%mul3A_307] : memref<10240xi32, #tpu.memory_space<vmem>> -> memref<128xi32, #tpu.memory_space<vmem>>
        %dma_wait3A_313 = arith.constant 0 : i32
        %dma_wait3A_314 = arith.constant 0 : i32
        %dma_wait3A_315 = tpu.memref_slice %arg15[%dma_wait3A_313, %dma_wait3A_314] : memref<5120x128xf32, #tpu.memory_space<vmem_shared>> -> memref<5120x128xf32, #tpu.memory_space<vmem_shared>>
        tpu.wait_indirect_dma semaphore(%run_scoped3A : memref<!tpu.dma_semaphore, #tpu.memory_space<semaphore_mem>>) src(%arg13 : memref<128x128xf32, #tpu.memory_space<vmem>>) dst(%dma_wait3A_315 : memref<5120x128xf32, #tpu.memory_space<vmem_shared>>)
        tpu.yield
      }) : () -> ()
    }
    %eq3A = arith.constant 0 : i32
    "tpu.trace_stop"() : () -> ()
    "tpu.trace_start"() <{level = 10 : i32, message = "degout"}> : () -> ()
    %eq3A_292 = arith.cmpi eq, %arg0, %eq3A : i32
    %convert_element_type3A = arith.extui %eq3A_292 : i1 to i32
    %cond3A = arith.constant 0 : i32
    %cond3A_293 = arith.cmpi ne, %convert_element_type3A, %cond3A : i32
    scf.if %cond3A_293 {
      "tpu.region"() ({
        %run_scoped3A = tpu.sem_alloc : memref<!tpu.dma_semaphore, #tpu.memory_space<semaphore_mem>>
        %dma_start3A_295 = arith.constant 0 : i32
        %dma_start3A_296 = tpu.memref_slice %arg8[%arg1, %dma_start3A_295] : memref<16x10016xf32, #tpu.memory_space<hbm>> -> memref<1x10016xf32, #tpu.memory_space<hbm>>
        %dma_start3A_297 = tpu.memref_squeeze %dma_start3A_296 : memref<1x10016xf32, #tpu.memory_space<hbm>> -> memref<10016xf32, #tpu.memory_space<hbm>>
        %dma_start3A_298 = arith.constant 0 : i32
        %dma_start3A_299 = tpu.memref_slice %arg8[%arg1, %dma_start3A_298] : memref<16x10016xf32, #tpu.memory_space<hbm>> -> memref<1x10016xf32, #tpu.memory_space<hbm>>
        %dma_start3A_300 = tpu.memref_squeeze %dma_start3A_299 : memref<1x10016xf32, #tpu.memory_space<hbm>> -> memref<10016xf32, #tpu.memory_space<hbm>>
        tpu.enqueue_dma source(%arg14 : memref<10016xf32, #tpu.memory_space<vmem>>) target(%dma_start3A_300 : memref<10016xf32, #tpu.memory_space<hbm>>) target_semaphore(%run_scoped3A : memref<!tpu.dma_semaphore, #tpu.memory_space<semaphore_mem>>)
        %dma_wait3A_301 = arith.constant 0 : i32
        %dma_wait3A_302 = tpu.memref_slice %arg8[%arg1, %dma_wait3A_301] : memref<16x10016xf32, #tpu.memory_space<hbm>> -> memref<1x10016xf32, #tpu.memory_space<hbm>>
        %dma_wait3A_303 = tpu.memref_squeeze %dma_wait3A_302 : memref<1x10016xf32, #tpu.memory_space<hbm>> -> memref<10016xf32, #tpu.memory_space<hbm>>
        %dma_wait3A_304 = arith.constant 0 : i32
        %dma_wait3A_305 = tpu.memref_slice %arg8[%arg1, %dma_wait3A_304] : memref<16x10016xf32, #tpu.memory_space<hbm>> -> memref<1x10016xf32, #tpu.memory_space<hbm>>
        %dma_wait3A_306 = tpu.memref_squeeze %dma_wait3A_305 : memref<1x10016xf32, #tpu.memory_space<hbm>> -> memref<10016xf32, #tpu.memory_space<hbm>>
        tpu.wait_dma2 semaphore(%run_scoped3A : memref<!tpu.dma_semaphore, #tpu.memory_space<semaphore_mem>>) src(%arg14 : memref<10016xf32, #tpu.memory_space<vmem>>) dst(%dma_wait3A_306 : memref<10016xf32, #tpu.memory_space<hbm>>)
        tpu.yield
      }) : () -> ()
    } else {
    }
    "tpu.trace_stop"() : () -> ()
    %barrier3A_294 = arith.constant 0 : index
    tpu.barrier barrier_id(%barrier3A_294)
    "tpu.trace_start"() <{level = 10 : i32, message = "writeout"}> : () -> ()
    "tpu.region"() ({
      %run_scoped3A = tpu.sem_alloc : memref<!tpu.dma_semaphore, #tpu.memory_space<semaphore_mem>>
      %dma_start3A_295 = arith.constant 0 : i32
      %dma_start3A_296 = tpu.memref_slice %arg7[%arg0, %mul3A_0, %dma_start3A_295] : memref<2x5120x128xf32, #tpu.memory_space<hbm>> -> memref<1x320x128xf32, #tpu.memory_space<hbm>>
      %dma_start3A_297 = tpu.memref_squeeze %dma_start3A_296 : memref<1x320x128xf32, #tpu.memory_space<hbm>> -> memref<320x128xf32, #tpu.memory_space<hbm>>
      %dma_start3A_298 = arith.constant 0 : i32
      %dma_start3A_299 = tpu.memref_slice %arg15[%mul3A_0, %dma_start3A_298] : memref<5120x128xf32, #tpu.memory_space<vmem_shared>> -> memref<320x128xf32, #tpu.memory_space<vmem_shared>>
      tpu.enqueue_dma source(%dma_start3A_299 : memref<320x128xf32, #tpu.memory_space<vmem_shared>>) target(%dma_start3A_297 : memref<320x128xf32, #tpu.memory_space<hbm>>) target_semaphore(%run_scoped3A : memref<!tpu.dma_semaphore, #tpu.memory_space<semaphore_mem>>)
      %dma_wait3A_300 = arith.constant 0 : i32
      %dma_wait3A_301 = tpu.memref_slice %arg7[%arg0, %mul3A_0, %dma_wait3A_300] : memref<2x5120x128xf32, #tpu.memory_space<hbm>> -> memref<1x320x128xf32, #tpu.memory_space<hbm>>
      %dma_wait3A_302 = tpu.memref_squeeze %dma_wait3A_301 : memref<1x320x128xf32, #tpu.memory_space<hbm>> -> memref<320x128xf32, #tpu.memory_space<hbm>>
      %dma_wait3A_303 = arith.constant 0 : i32
      %dma_wait3A_304 = tpu.memref_slice %arg15[%mul3A_0, %dma_wait3A_303] : memref<5120x128xf32, #tpu.memory_space<vmem_shared>> -> memref<320x128xf32, #tpu.memory_space<vmem_shared>>
      tpu.wait_dma2 semaphore(%run_scoped3A : memref<!tpu.dma_semaphore, #tpu.memory_space<semaphore_mem>>) src(%dma_wait3A_304 : memref<320x128xf32, #tpu.memory_space<vmem_shared>>) dst(%dma_wait3A_302 : memref<320x128xf32, #tpu.memory_space<hbm>>)
      tpu.yield
    }) : () -> ()
    "tpu.trace_stop"() : () -> ()
    return
  }
}

module attributes {stable_mosaic.version = 14 : i64} {
  func.func @_tc1_body(%arg0: i32, %arg1: memref<1000x128xf32, #tpu.memory_space<vmem>>, %arg2: memref<128x128xf32, #tpu.memory_space<vmem>>, %arg3: memref<1x128xf32, #tpu.memory_space<vmem>>, %arg4: memref<1000x128xf32, #tpu.memory_space<vmem>>) attributes {dimension_semantics = [#tpu.dimension_semantics<arbitrary>], iteration_bounds = array<i64: 10>, scalar_prefetch = 0 : i64, scratch_operands = 0 : i64, tpu.core_type = #tpu.core_type<tc>, window_params = [{transform_indices = @transform_0, window_bounds = array<i64: 1000, 128>}, {pipeline_mode = #tpu.pipeline_mode<synchronous>, transform_indices = @transform_1, window_bounds = array<i64: 128, 128>}, {pipeline_mode = #tpu.pipeline_mode<synchronous>, transform_indices = @transform_2, window_bounds = array<i64: 1, 128>}, {transform_indices = @transform_3, window_bounds = array<i64: 1000, 128>}]} {
    %get3A = arith.constant 0 : index
    %get3A_0 = arith.constant 0 : index
    %get3A_1 = vector.load %arg1[%get3A, %get3A_0] : memref<1000x128xf32, #tpu.memory_space<vmem>>, vector<1000x128xf32>
    %get3A_2 = arith.constant 0 : index
    %get3A_3 = arith.constant 0 : index
    %get3A_4 = vector.load %arg2[%get3A_2, %get3A_3] : memref<128x128xf32, #tpu.memory_space<vmem>>, vector<128x128xf32>
    %dot_general3A = arith.constant dense<0.000000e+00> : vector<1000x128xf32>
    %dot_general3A_5 = tpu.matmul %get3A_1, %get3A_4, %dot_general3A {dimension_numbers = #tpu.dot_dimension_numbers<[1], [0], [0], [1], [0, 0, 1, 1], [], []>, transpose_lhs_hint = false} : vector<1000x128xf32>, vector<128x128xf32>, vector<1000x128xf32> -> vector<1000x128xf32>
    %get3A_6 = arith.constant 0 : index
    %get3A_7 = arith.constant 0 : index
    %get3A_8 = vector.load %arg3[%get3A_6, %get3A_7] : memref<1x128xf32, #tpu.memory_space<vmem>>, vector<1x128xf32>
    %add3A = vector.broadcast %get3A_8 : vector<1x128xf32> to vector<1000x128xf32>
    %add3A_9 = arith.addf %dot_general3A_5, %add3A : vector<1000x128xf32>
    %swap3A = arith.constant 0 : index
    %swap3A_10 = arith.constant 0 : index
    %swap3A_11 = vector.load %arg4[%swap3A, %swap3A_10] : memref<1000x128xf32, #tpu.memory_space<vmem>>, vector<1000x128xf32>
    tpu.vector_store %arg4[%swap3A, %swap3A_10], %add3A_9 {strides = array<i32>} : memref<1000x128xf32, #tpu.memory_space<vmem>>, vector<1000x128xf32>,
    return
  }
  func.func @transform_0(%arg0: i32) -> (i32, i32) {
    %c0_i32 = arith.constant 0 : i32
    %c0_i32_0 = arith.constant 0 : i32
    return %arg0, %c0_i32 : i32, i32
  }
  func.func @transform_1(%arg0: i32) -> (i32, i32) {
    %c0_i32 = arith.constant 0 : i32
    %c0_i32_0 = arith.constant 0 : i32
    %c0_i32_1 = arith.constant 0 : i32
    return %c0_i32, %c0_i32_0 : i32, i32
  }
  func.func @transform_2(%arg0: i32) -> (i32, i32) {
    %c0_i32 = arith.constant 0 : i32
    %c0_i32_0 = arith.constant 0 : i32
    %c0_i32_1 = arith.constant 0 : i32
    return %c0_i32, %c0_i32_0 : i32, i32
  }
  func.func @transform_3(%arg0: i32) -> (i32, i32) {
    %c0_i32 = arith.constant 0 : i32
    %c0_i32_0 = arith.constant 0 : i32
    return %arg0, %c0_i32 : i32, i32
  }
}

module attributes {stable_mosaic.version = 14 : i64} {
  func.func @_tc2_body(%arg0: i32, %arg1: memref<1000x128xf32, #tpu.memory_space<vmem>>, %arg2: memref<1x1000x128xf32, #tpu.memory_space<vmem>>, %arg3: memref<1000x16xf32, #tpu.memory_space<vmem>>, %arg4: memref<128x128xf32, #tpu.memory_space<vmem>>, %arg5: memref<1000x128xf32, #tpu.memory_space<vmem>>) attributes {dimension_semantics = [#tpu.dimension_semantics<arbitrary>], iteration_bounds = array<i64: 10>, scalar_prefetch = 0 : i64, scratch_operands = 0 : i64, tpu.core_type = #tpu.core_type<tc>, window_params = [{transform_indices = @transform_0, window_bounds = array<i64: 1000, 128>}, {transform_indices = @transform_1, window_bounds = array<i64: 1, 1000, 128>}, {transform_indices = @transform_2, window_bounds = array<i64: 1000, 16>}, {pipeline_mode = #tpu.pipeline_mode<synchronous>, transform_indices = @transform_3, window_bounds = array<i64: 128, 128>}, {transform_indices = @transform_4, window_bounds = array<i64: 1000, 128>}]} {
    %get3A = arith.constant 0 : index
    %get3A_0 = arith.constant 0 : index
    %get3A_1 = arith.constant 0 : index
    %get3A_2 = vector.load %arg2[%get3A, %get3A_0, %get3A_1] : memref<1x1000x128xf32, #tpu.memory_space<vmem>>, vector<1x1000x128xf32>
    %get3A_3 = vector.shape_cast %get3A_2 : vector<1x1000x128xf32> to vector<1000x128xf32>
    %get3A_4 = arith.constant 0 : index
    %get3A_5 = arith.constant 0 : index
    %get3A_6 = vector.load %arg3[%get3A_4, %get3A_5] : memref<1000x16xf32, #tpu.memory_space<vmem>>, vector<1000x16xf32>
    %reduce_sum3A = arith.constant dense<0.000000e+00> : vector<1000xf32>
    %reduce_sum3A_7 = vector.multi_reduction <add>, %get3A_6, %reduce_sum3A [1] : vector<1000x16xf32> to vector<1000xf32>
    %max3A = arith.constant 1.000000e+00 : f32
    %max3A_8 = vector.broadcast %max3A : f32 to vector<1000xf32>
    %max3A_9 = arith.maximumf %reduce_sum3A_7, %max3A_8 : vector<1000xf32>
    %broadcast_in_dim3A = vector.shape_cast %max3A_9 : vector<1000xf32> to vector<1000x1xf32>
    %div3A = vector.broadcast %broadcast_in_dim3A : vector<1000x1xf32> to vector<1000x128xf32>
    %div3A_10 = arith.divf %get3A_3, %div3A : vector<1000x128xf32>
    %get3A_11 = arith.constant 0 : index
    %get3A_12 = arith.constant 0 : index
    %get3A_13 = vector.load %arg1[%get3A_11, %get3A_12] : memref<1000x128xf32, #tpu.memory_space<vmem>>, vector<1000x128xf32>
    %get3A_14 = arith.constant 0 : index
    %get3A_15 = arith.constant 0 : index
    %get3A_16 = vector.load %arg4[%get3A_14, %get3A_15] : memref<128x128xf32, #tpu.memory_space<vmem>>, vector<128x128xf32>
    %dot_general3A = arith.constant dense<0.000000e+00> : vector<1000x128xf32>
    %dot_general3A_17 = tpu.matmul %div3A_10, %get3A_16, %dot_general3A {dimension_numbers = #tpu.dot_dimension_numbers<[1], [0], [0], [1], [0, 0, 1, 1], [], []>, transpose_lhs_hint = false} : vector<1000x128xf32>, vector<128x128xf32>, vector<1000x128xf32> -> vector<1000x128xf32>
    %add3A = arith.addf %get3A_13, %dot_general3A_17 : vector<1000x128xf32>
    %swap3A = arith.constant 0 : index
    %swap3A_18 = arith.constant 0 : index
    %swap3A_19 = vector.load %arg5[%swap3A, %swap3A_18] : memref<1000x128xf32, #tpu.memory_space<vmem>>, vector<1000x128xf32>
    tpu.vector_store %arg5[%swap3A, %swap3A_18], %add3A {strides = array<i32>} : memref<1000x128xf32, #tpu.memory_space<vmem>>, vector<1000x128xf32>,
    return
  }
  func.func @transform_0(%arg0: i32) -> (i32, i32) {
    %c0_i32 = arith.constant 0 : i32
    %c0_i32_0 = arith.constant 0 : i32
    return %arg0, %c0_i32 : i32, i32
  }
  func.func @transform_1(%arg0: i32) -> (i32, i32, i32) {
    %jit3A = arith.constant 5 : i32
    %div3A = arith.divsi %arg0, %jit3A : i32
    %sign3A = arith.constant 0 : i32
    %sign3A_0 = arith.cmpi sgt, %arg0, %sign3A : i32
    %sign3A_1 = arith.extui %sign3A_0 : i1 to i32
    %sign3A_2 = arith.constant 0 : i32
    %sign3A_3 = arith.cmpi slt, %arg0, %sign3A_2 : i32
    %sign3A_4 = arith.extui %sign3A_3 : i1 to i32
    %sign3A_5 = arith.subi %sign3A_1, %sign3A_4 : i32
    %sign3A_6 = arith.constant 0 : i32
    %sign3A_7 = arith.cmpi sgt, %jit3A, %sign3A_6 : i32
    %sign3A_8 = arith.extui %sign3A_7 : i1 to i32
    %sign3A_9 = arith.constant 0 : i32
    %sign3A_10 = arith.cmpi slt, %jit3A, %sign3A_9 : i32
    %sign3A_11 = arith.extui %sign3A_10 : i1 to i32
    %sign3A_12 = arith.subi %sign3A_8, %sign3A_11 : i32
    %ne3A = arith.cmpi ne, %sign3A_5, %sign3A_12 : i32
    %rem3A = arith.remsi %arg0, %jit3A : i32
    %ne3A_13 = arith.constant 0 : i32
    %ne3A_14 = arith.cmpi ne, %rem3A, %ne3A_13 : i32
    %and3A = arith.andi %ne3A, %ne3A_14 : i1
    %sub3A = arith.constant 1 : i32
    %sub3A_15 = arith.subi %div3A, %sub3A : i32
    %select_n3A = arith.select %and3A, %sub3A_15, %div3A : i32
    %jit3A_16 = arith.constant 5 : i32
    %eq3A = arith.constant 0 : i32
    %eq3A_17 = arith.cmpi eq, %jit3A_16, %eq3A : i32
    %jit3A_18 = arith.constant 1 : i32
    %select_n3A_19 = arith.select %eq3A_17, %jit3A_18, %jit3A_16 : i32
    %rem3A_20 = arith.remsi %arg0, %select_n3A_19 : i32
    %ne3A_21 = arith.constant 0 : i32
    %ne3A_22 = arith.cmpi ne, %rem3A_20, %ne3A_21 : i32
    %lt3A = arith.constant 0 : i32
    %lt3A_23 = arith.cmpi slt, %rem3A_20, %lt3A : i32
    %lt3A_24 = arith.constant 0 : i32
    %lt3A_25 = arith.cmpi slt, %select_n3A_19, %lt3A_24 : i32
    %ne3A_26 = arith.xori %lt3A_23, %lt3A_25 : i1
    %and3A_27 = arith.andi %ne3A_26, %ne3A_22 : i1
    %add3A = arith.addi %rem3A_20, %select_n3A_19 : i32
    %select_n3A_28 = arith.select %and3A_27, %add3A, %rem3A_20 : i32
    %c0_i32 = arith.constant 0 : i32
    %c0_i32_29 = arith.constant 0 : i32
    return %select_n3A, %select_n3A_28, %c0_i32 : i32, i32, i32
  }
  func.func @transform_2(%arg0: i32) -> (i32, i32) {
    %c0_i32 = arith.constant 0 : i32
    %c0_i32_0 = arith.constant 0 : i32
    return %arg0, %c0_i32 : i32, i32
  }
  func.func @transform_3(%arg0: i32) -> (i32, i32) {
    %c0_i32 = arith.constant 0 : i32
    %c0_i32_0 = arith.constant 0 : i32
    %c0_i32_1 = arith.constant 0 : i32
    return %c0_i32, %c0_i32_0 : i32, i32
  }
  func.func @transform_4(%arg0: i32) -> (i32, i32) {
    %c0_i32 = arith.constant 0 : i32
    %c0_i32_0 = arith.constant 0 : i32
    return %arg0, %c0_i32 : i32, i32
  }
}

</mosaic_0001>

<sc_bundles>
// kernel: kernel.5.cloned.1.call-start
scs
__scs_entry_jumppad:
0x0: {  	(pc) =	sbr.rel $0x88, $3  }
0x1: {  	(tag) =	ssettag $0x0;
	lr =	simm.s32 $0x1  }
0x2: {  	[smem:$0x3F9D] =	sst lr;
	_ =	strace $0xD0000000  }
0x3: {  	_ = 	snop  }
0x4: {  	_ = 	snop  }
0x5: {  	_ = 	snop  }
0x6: {  	_ = 	snop  }
0x7: {  	_ = 	snop  }
__scs_overlays_trampoline_lowered:
0x8: {  	[smem:$0x3FAC] =	sst s0  }
0x9: {  	[smem:$0x3FAD] =	sst s1  }
0xa: {  	[smem:$0x3FAE] =	sst s2  }
0xb: {  	[smem:$0x3FAF] =	sst s3  }
0xc: {  	[smem:$0x3FB0] =	sst s4  }
0xd: {  	[smem:$0x3FB1] =	sst s5  }
0xe: {  	[smem:$0x3FB2] =	sst s6  }
0xf: {  	[smem:$0x3FB3] =	sst s7  }
0x10: {  	[smem:$0x3FB4] =	sst s8  }
0x11: {  	[smem:$0x3FB5] =	sst s9;
	s0 =	simm.s32 @!p0 $0x0  }
0x12: {  	s1 =	sld [smem:$0x3F9B];
	s0 =	simm.s32 @p0 $0x1  }
0x13: {  	[smem:$0x3FB6] =	sst s0;
	s0 =	simm.s32 @!p1 $0x0  }
0x14: {  	s2 =	sld [smem:$0x3F9A];
	s0 =	simm.s32 @p1 $0x1  }
0x15: {  	[smem:$0x3FB7] =	sst s0;
	s0 =	simm.s32 @!p2 $0x0  }
0x16: {  	s3 =	sld [smem:$0x3FDB];
	s0 =	simm.s32 @p2 $0x1  }
0x17: {  	s4 =	simm.s32 $0x1BF5;
	[smem:$0x3FB9] =	sst s0  }
0x18: {  	s0 =	sld [smem:$0x3F9C];
	_ =	swait.ge [sflag:s4], $0x0  }
0x19: {  	s7 =	sld [smem:$0x3F9D]  }
0x1a: {  	s8 =	sadd.s32 $0xFFFFE003, lr  }
0x1b: {  	s9 =	sadd.s32 $0xFFFFFEF7, lr;
	s5 =	simm.s32 $0xFFFFFFFF;
	p2 =	slt.u32 s8, $0xFFFFF086  }
0x1c: {  	p1 =	slt.u32 s9, $0xF7A;
	s5 =	simm.s32 @!p2 $0x0  }
0x1d: {  	s5 =	simm.s32 @p1 $0x1;
	p0 =	seq.s32 s7, s2  }
0x1e: {  	s7 =	smul.u32 @!p0 $0xF7A, s2;
	p2 =	seq.s32 @!p0 s5, $0x0  }
0x1f: {  	s9 =	smul.u32 $0xF7A, s1;
	s8 =	simm.s32 @!p0 $0x1BF5;
	p2 =	por !p2, p0  }
0x20: {  	[sflag:s8] =	ssyncset.s32 @!p0 $0xFFFFF086;
	s6 =	sadd.s32 @!p0 s3, s7;
	s7 =	simm.s32 @!p0 $0x108  }
0x21: {  	s3 =	sadd.s32 s3, s9;
	s6 =	sadd.s32 @!p0 $0x88, s6;
	s7 =	simm.s32 @p2 $0x1082  }
0x22: {  	[simem:s7], [sflag:s8] =	dma.local @!p0 [hbm:s6], $0xF7A  }
0x23: {  	s9 =	sor.u32 $0xD0000000, s2;
	s6 =	simm.s32 $0x108;
	_ =	swait.ge @!p0 [sflag:s8], $0x0  }
0x24: {  	s3 =	sadd.s32 $0x88, s3;
	s6 =	simm.s32 @!p1 $0x1082;
	[sflag:s4] =	ssyncset.s32 $0xFFFFF086  }
0x25: {  	[simem:s6], [sflag:s4] =	dma.local [hbm:s3], $0xF7A  }
0x26: {  	[smem:$0x3F9D] =	sst s1;
	(tag) =	ssettag s2;
	_ =	strace s9  }
0x27: {  	s1 =	sld [smem:$0x3FAD]  }
0x28: {  	s2 =	sld [smem:$0x3FAE]  }
0x29: {  	s4 =	sld [smem:$0x3FB0]  }
0x2a: {  	p0 =	seq.s32 s5, $0x0;
	s5 =	sld [smem:$0x3FB1]  }
0x2b: {  	s6 =	sld [smem:$0x3FB2]  }
0x2c: {  	s7 =	sld [smem:$0x3FB3]  }
0x2d: {  	s3 =	simm.s32 $0x108;
	s8 =	sld [smem:$0x3FB4]  }
0x2e: {  	s3 =	simm.s32 @!p0 $0x1082;
	s9 =	sld [smem:$0x3FB5]  }
0x2f: {  	lr =	sadd.s32 s0, s3;
	s0 =	sld [smem:$0x3FAC]  }
0x30: {  	s3 =	sld [smem:$0x3FAF]  }
0x31: {  	[smem:$0x3FB8] =	sst s10  }
0x32: {  	s10 =	sld [smem:$0x3FB6];
	_ =	sdelay $0x3  }
0x33: {  	p0 =	seq.s32 s10, $0x1;
	s10 =	sld [smem:$0x3FB8];
	_ =	sdelay $0x3  }
0x34: {  	[smem:$0x3FB8] =	sst s10  }
0x35: {  	s10 =	sld [smem:$0x3FB7];
	_ =	sdelay $0x3  }
0x36: {  	p1 =	seq.s32 s10, $0x1;
	s10 =	sld [smem:$0x3FB8];
	_ =	sdelay $0x3  }
0x37: {  	[smem:$0x3FB8] =	sst s10  }
0x38: {  	s10 =	sld [smem:$0x3FB9]  }
0x39: {  	_ = 	snop;
	(pc) =	sbr.ind lr, $3  }
0x3a: {  	_ = 	snop  }
0x3b: {  	_ = 	snop  }
0x3c: {  	p2 =	seq.s32 s10, $0x1;
	s10 =	sld [smem:$0x3FB8]  }
0x3d: {  	_ =	shalt  }
0x3e: {  	_ =	shalt  }
0x3f: {  	_ =	shalt  }
0x40: {  	_ =	shalt  }
0x41: {  	_ =	shalt  }
0x42: {  	_ =	shalt  }
0x43: {  	_ =	shalt  }
0x44: {  	_ =	shalt  }
0x45: {  	_ =	shalt  }
0x46: {  	_ =	shalt  }
0x47: {  	_ =	shalt  }
0x48: {  	_ =	shalt  }
0x49: {  	_ =	shalt  }
0x4a: {  	_ =	shalt  }
0x4b: {  	_ =	shalt  }
0x4c: {  	_ =	shalt  }
0x4d: {  	_ =	shalt  }
0x4e: {  	_ =	shalt  }
0x4f: {  	_ =	shalt  }
0x50: {  	_ =	shalt  }
0x51: {  	_ =	shalt  }
0x52: {  	_ =	shalt  }
0x53: {  	_ =	shalt  }
0x54: {  	_ =	shalt  }
0x55: {  	_ =	shalt  }
0x56: {  	_ =	shalt  }
0x57: {  	_ =	shalt  }
0x58: {  	_ =	shalt  }
0x59: {  	_ =	shalt  }
0x5a: {  	_ =	shalt  }
0x5b: {  	_ =	shalt  }
0x5c: {  	_ =	shalt  }
0x5d: {  	_ =	shalt  }
0x5e: {  	_ =	shalt  }
0x5f: {  	_ =	shalt  }
0x60: {  	_ =	shalt  }
0x61: {  	_ =	shalt  }
0x62: {  	_ =	shalt  }
0x63: {  	_ =	shalt  }
0x64: {  	_ =	shalt  }
0x65: {  	_ =	shalt  }
0x66: {  	_ =	shalt  }
0x67: {  	_ =	shalt  }
0x68: {  	_ =	shalt  }
0x69: {  	_ =	shalt  }
0x6a: {  	_ =	shalt  }
0x6b: {  	_ =	shalt  }
0x6c: {  	_ =	shalt  }
0x6d: {  	_ =	shalt  }
0x6e: {  	_ =	shalt  }
0x6f: {  	_ =	shalt  }
0x70: {  	_ =	shalt  }
0x71: {  	_ =	shalt  }
0x72: {  	_ =	shalt  }
0x73: {  	_ =	shalt  }
0x74: {  	_ =	shalt  }
0x75: {  	_ =	shalt  }
0x76: {  	_ =	shalt  }
0x77: {  	_ =	shalt  }
0x78: {  	_ =	shalt  }
0x79: {  	_ =	shalt  }
0x7a: {  	_ =	shalt  }
0x7b: {  	_ =	shalt  }
0x7c: {  	_ =	shalt  }
0x7d: {  	_ =	shalt  }
0x7e: {  	_ =	shalt  }
0x7f: {  	_ =	shalt  }
0x80: {  	_ =	shalt  }
0x81: {  	_ =	shalt  }
0x82: {  	_ =	shalt  }
0x83: {  	_ =	shalt  }
0x84: {  	_ =	shalt  }
0x85: {  	_ =	shalt  }
0x86: {  	_ =	shalt  }
0x87: {  	_ =	shalt  }
.Lfunc_end0:
.L_simem_size_0:
called_computation_lowered:
.L_overlay_start_0:
0x88: {  	s2 =	sld [smem:$0x3FD9]  }
0x89: {  	s3 =	sld [smem:$0x3FFE];
	_ =	sdelay $0x1  }
0x8a: {  	s1 =	srdreg.scid  }
0x8b: {  	s0 =	sand.u32 $0x1, s1  }
0x8c: {  	s17 =	sshll.u32 s0, $0xA;
	s2 =	sadd.s32 s3, s2  }
0x8d: {  	s2 =	sadd.s32 s2, s17  }
0x8e: {  	[smem:$0x3FC4] =	sst s2  }
0x8f: {  	_ = 	snop  }
0x90: {  	s2 =	sld [smem:$0x3FC9]  }
0x91: {  	s18 =	sld [smem:$0x3FD0];
	(tm) =	ssettm $0x1  }
0x92: {  	s4 =	sld [smem:$0x3FFB];
	_ =	sdelay $0x3  }
0x93: {  	_ =	strace s4  }
0x94: {  	s4 =	sld [smem:$0x3FFC];
	_ =	sdelay $0x3  }
0x95: {  	_ =	strace s4  }
0x96: {  	s4 =	sld [smem:$0x3FFD];
	_ =	sdelay $0x3  }
0x97: {  	_ =	strace s4  }
0x98: {  	_ =	strace $0x8FFFFFFF  }
0x99: {  	s19 =	sld [smem:$0x3FDB];
	_ =	sdelay $0x1  }
0x9a: {  	s5 =	simm.s32 $_scs_section_size  }
0x9b: {  	s6 =	simm.s32 $_size__tile_overlayer_lowered;
	s7 =	simm.s32 $_tile_overlayer_lowered  }
0x9c: {  	s22 =	simm.s32 $0x1BFF;
	s21 =	sshll.u32 s7, $0x1;
	s4 =	sadd.s32 s5, s19  }
0x9d: {  	s8 =	simm.s32 $0x0;
	s20 =	sshll.u32 s6, $0x1;
	s6 =	sadd.s32 s21, s4  }
0x9e: {  	[timem:s8], [sflag:s22] =	dma.local [hbm:s6], s20  }
0x9f: {  	_ =	swait.ge [sflag:s22], s20  }
0xa0: {  	s5 =	ssub.s32 $0x0, s20;
	[sflag:s22] =	ssyncset.done $0x0  }
0xa1: {  	[sflag:s22] =	ssyncadd.s32 s5;
	_ =	sdelay $0x1  }
0xa2: {  	s23 =	simm.s32 $0x1B8B  }
0xa3: {  	_ =	swait.ge [sflag:s23], $0x1  }
0xa4: {  	[sflag:s23] =	ssyncset.done $0x0  }
0xa5: {  	s25 =	simm.s32 $0x1B8E;
	s24 =	sld [smem:$0x3FFE];
	[sflag:s23] =	ssyncadd.s32 $0xFFFFFFFF  }
0xa6: {  	s26 =	simm.s32 $execute0_lowered;
	[smem:$0x3FD2] =	sst s25  }
0xa7: {  	s6 =	sshll.u32 s26, $0x1;
	_ =	strace $0x80000046;
	[dreg:$0x1] =	wrdreg $0xFFFFFFFF  }
0xa8: {  	s28 =	simm.s32 $_size_execute0_lowered;
	s4 =	sadd.s32 s4, s6;
	[dreg:$0x0] =	wrdreg $0x0  }
0xa9: {  	s6 =	sshll.u32 s28, $0x1;
	[dreg:$0x2] =	wrdreg s4  }
0xaa: {  	[dreg:$0x3] =	wrdreg s6  }
0xab: {  	[dreg:$0x4] =	wrdreg $0xC0  }
0xac: {  	_ =	task [dreg:s8], $0x5FFFF  }
0xad: {  	[dreg:$0x1] =	wrdreg $0xFFFFFFFF  }
0xae: {  	[dreg:$0x0] =	wrdreg $0x60  }
0xaf: {  	[dreg:$0x2] =	wrdreg s2  }
0xb0: {  	[dreg:$0x3] =	wrdreg s24  }
0xb1: {  	[dreg:$0x4] =	wrdreg s18  }
0xb2: {  	[dreg:$0x5] =	wrdreg $0x107800  }
0xb3: {  	[dreg:$0x6] =	wrdreg $0x9  }
0xb4: {  	_ =	task.clear_ibuf [dreg:s8], $0x7FFFF;
	_ =	strace $0x90000046  }
0xb5: {  	s29 =	simm.s32 $0x9;
	_ =	strace $0x80000050  }
0xb6: {  	_ =	swait.ge [sflag:s29], $0x1  }
0xb7: {  	[sflag:s29] =	ssyncadd.s32 $0xFFFFFFFF  }
0xb8: {  	_ =	strace $0x90000050  }
0xb9: {  	_ =	sfence  }
0xba: {  	s30 =	sld [smem:$0x0];
	_ =	sdelay $0x2  }
0xbb: {  	s31 =	sshll.u32 s1, $0xD;
	s1 =	sshrl.u32 s1, $0x2  }
0xbc: {  	s3 =	sand.u32 $0x4000, s31;
	s1 =	sadd.s32 s1, s30  }
0xbd: {  	s0 =	sor.u32 s3, s0;
	s1 =	sshll.u32 s1, $0x11  }
0xbe: {  	s0 =	sor.u32 s1, s0  }
0xbf: {  	s0 =	sadd.s32 $0x8F2B, s0  }
0xc0: {  	[sflag:s0] =	ssyncadd.remote.s32 $0x1  }
0xc1: {  	_ =	sfence.sel $0xFFFF  }
0xc2: {  	[dreg:$0x0] =	wrdreg $0xFFFFFFFF;
	(pc) =	sbr.abs _section_cstart, $3  }
0xc3: {  	[dreg:$0x1] =	wrdreg $0xFFFFFFFF  }
0xc4: {  	_ =	task.clear_ibuf [dreg:s8], $0x2FFFF;
	_ =	strace $0x9FFFFFFF  }
0xc5: {  	(tm) =	ssettm $0x7FFFFFFF  }
tec
execute0_lowered:
.L_overlay_start_1:
0x0: {  	(tag) =	ssettag $0x1  }
0x1: {  	s1 =	rddreg [dreg:$0x0]  }
0x2: {  	s6 =	rddreg [dreg:$0x1]  }
0x3: {  	s7 =	rddreg [dreg:$0x2]  }
0x4: {  	s3 =	rddreg [dreg:$0x3]  }
0x5: {  	s0 =	rddreg [dreg:$0x4]  }
0x6: {  	s4 =	simm.s32 $0x0;
	s5 =	srdreg.scid;
	s2 =	stileid.u32  }
0x7: {  	s17 =	simm.s32 $0x2800;
	s18 =	simm.s32 $0xE000;
	s19 =	simm.s32 $0x4  }
0x8: {  	s20 =	simm.s32 $0x1;
	s21 =	simm.s32 $0x2;
	s22 =	simm.s32 $0x3  }
0x9: {  	s25 =	simm.s32 $0x0;
	[smem:$0x7FF] =	sst s4;
	s8 =	smul.u32 $0xA000, s2  }
0xa: {  	s23 =	sand.u32 $0x1, s5;
	s9 =	sadd.s32 $0xB000, s6;
	s14 =	smul.u32 $0x28000, s2  }
0xb: {  	s10 =	sadd.s32 $0x1000, s6;
	s11 =	sshrl.u32 s2, $0x3;
	s16 =	smul.u32 $0x5000, s2  }
0xc: {  	s13 =	sshll.u32 s2, $0x7;
	_ =	strace $0x80000047;
	s5 =	smul.u32 $0xA0000, s23  }
0xd: {  	s11 =	smul.u32 $0x13C00, s11;
	s13 =	sand.u32 $0x380, s13;
	s28 =	ssub.s32 $0x2, s23  }
0xe: {  	s24 =	smul.u32 $0x1388, s23;
	p0 =	sne.s32 s23, $0x0;
	s23 =	simm.s32 $0x80  }
0xf: {  	s15 =	sshrl.u32 s28, $0x1;
	s29 =	sshrl.u32 s14, $0x2;
	s30 =	sshrl.u32 s16, $0x3  }
0x10: {  	s12 =	sadd.s32 s8, s5;
	s5 =	sadd.s32 $0x15000, s6;
	s11 =	sor.u32 s13, s11  }
0x11: {  	s13 =	ssub.s32 s28, s15;
	s8 =	sshrl.u32 s8, $0x3;
	s31 =	sadd.s32 s29, s3  }
0x12: {  	s14 =	sadd.s32 $0x500, s30;
	v0 =	vmov s24;
	s24 =	simm.s32 $0xA000;
	s12 =	sshrl.u32 s12, $0x3  }
.Ltmp0:
0x13: {  	s11 =	sshrl.u32 s11, $0x3;
	s13 =	smax.u32 s13, $0x1;
	(pc) =	sbr.rel .LBB2_1-.Ltmp0, $4  }
0x14: {  	s16 =	sshrl.u32 s31, $0x3;
	s12 =	sadd.s32 s12, s6;
	s11 =	sadd.s32 s11, s6  }
0x15: {  	s6 =	sadd.s32 s7, s8;
	s7 =	sadd.s32 s9, s30;
	s8 =	sadd.s32 s10, s30  }
0x16: {  	s9 =	sadd.s32 s9, s14;
	s10 =	sadd.s32 s10, s14;
	s14 =	sshll.u32 s2, $0x6  }
0x17: {  	v1 =	vimm.s32 $0x0;
	v2 =	vimm.s32 $0x13FF;
	s11 =	sadd.s32 $0x15600, s11;
	s12 =	sadd.s32 $0x1A600, s12;
	s15 =	sor.u32 $0x1C01, s14  }
.LBB2_12:
0x18: {  	[sflag:s19] =	ssyncadd.s32 $0xFFFFC000  }
.LBB2_13:
0x19: {  	_ =	strace $0x9000004D;
	s26 =	simm.s32 @!p0 $0x80  }
0x1a: {  	s28 =	simm.s32 @!p0 $0x400;
	s29 =	simm.s32 @!p0 $0xE000;
	_ =	strace $0x8000004E  }
0x1b: {  	[hbm4b:s11+s26] =	stream.strided.scatter @!p0 [tilespmem:s29], [sflag:$0x4], $0x2780, s28, s26, $0x200038;
	[tilespmem:$0x1A780] =	vst v63  }
0x1c: {  	s26 =	simm.s32 @!p0 $0x4  }
0x1d: {  	_ =	swait.ge @!p0 [sflag:s26], $0x2780  }
0x1e: {  	[sflag:s26] =	ssyncset.done @!p0 $0x0  }
0x1f: {  	[sflag:s26] =	ssyncadd.s32 @!p0 $0xFFFFD880  }
0x20: {  	_ =	strace $0x9000004E  }
0x21: {  	s25 =	sadd.s32 $0x1, s25;
	[bflag:$0x0] =	sbarrier.arrive $0xFFFF  }
0x22: {  	s31 =	sor.u32 $0x1C04, s14;
	p1 =	sne.s32 s25, s13;
	_ =	strace $0x8000004F  }
0x23: {  	[hbm:s12], [sflag:s31] =	dma.local [spmem:s16], $0x1400  }
.Ltmp1:
0x24: {  	_ = 	snop;
	(pc) =	sbr.rel @!p1 .LBB2_14-.Ltmp1, $4  }
0x25: {  	_ =	swait.ge [sflag:s19], $0x1400  }
0x26: {  	[sflag:s19] =	ssyncset.done $0x0  }
0x27: {  	[sflag:s19] =	ssyncadd.s32 $0xFFFFEC00  }
0x28: {  	_ =	strace $0x9000004F  }
.LBB2_1:
0x29: {  	_ =	strace $0x80000048  }
0x2a: {  	[spmem:s16], [sflag:s15] =	dma.local [hbm:s6], $0x1400  }
0x2b: {  	[tilespmem:s4], [sflag:$0x2] =	stream.linear.gather [hbm4b:s7+s4], $0x2780, $0x200038;
	[tilespmem:$0x1A780] =	vst v63  }
0x2c: {  	_ = 	snop  }
0x2d: {  	[tilespmem:s17], [sflag:$0x3] =	stream.linear.gather [hbm4b:s8+s4], $0x2780, $0x200038;
	[tilespmem:$0x1A780] =	vst v63  }
0x2e: {  	_ = 	snop  }
0x2f: {  	[tilespmem:s18], [sflag:$0x4] =	stream.linear.gather [hbm4b:s5+s4], $0x2780, $0x200038;
	[tilespmem:$0x1A780] =	vst v63  }
0x30: {  	_ =	swait.ge [sflag:s19], $0x2780  }
0x31: {  	[sflag:s19] =	ssyncset.done $0x0  }
0x32: {  	[sflag:s19] =	ssyncadd.s32 $0xFFFFD880  }
0x33: {  	_ =	swait.ge [sflag:s20], $0x1400  }
0x34: {  	[sflag:s20] =	ssyncset.done $0x0  }
0x35: {  	[sflag:s20] =	ssyncadd.s32 $0xFFFFEC00  }
0x36: {  	_ =	swait.ge [sflag:s21], $0x2780  }
0x37: {  	[sflag:s21] =	ssyncset.done $0x0  }
0x38: {  	[sflag:s21] =	ssyncadd.s32 $0xFFFFD880  }
0x39: {  	_ =	swait.ge [sflag:s22], $0x2780  }
0x3a: {  	[sflag:s22] =	ssyncset.done $0x0  }
0x3b: {  	[sflag:s22] =	ssyncadd.s32 $0xFFFFD880  }
0x3c: {  	_ =	strace $0x90000048  }
0x3d: {  	[bflag:$0x0] =	sbarrier.arrive $0xFFFF  }
0x3e: {  	s26 =	simm.s32 $0x0;
	_ =	strace $0x80000049  }
0x3f: {  	v5 =	vld [tilespmem:s26+$0x2800];
	_ =	sdelay $0x4  }
0x40: {  	v6 =	vsub.s32 v5, v0  }
0x41: {  	vm0 =	vlt.u32 v6, $0x1388  }
0x42: {  	v3 =	vsel vm0, $0x1, v1  }
0x43: {  	(xrf0) =	vadd.scan.msk.s32 $0xffff, v3;
	_ =	sdelay $0x2  }
0x44: {  	v4 =	vld [tilespmem:s26+$0x0];
	_ =	sdelay $0x1  }
0x45: {  	s26 =	simm.s32 @!p0 $0xE000;
	v3 =	vimm.f32 @!p0 $1.000000000e+00  }
0x46: {  	[tilespmem:v5+s26+$0x0] =	vst.idx.add.f32.msk @!p0 $0xffff, v3;
	v5, _, _ =	vpop (xrf0)  }
0x47: {  	s29 =	simm.s32 $0x40;
	s28 =	simm.s32 $0x0;
	[tilespmem:s4+$0x7800] =	vst.msk vm0, v6;
	(v2sf) =	vpush v5, $0xF  }
.LBB2_2:
0x48: {  	s30 =	sshra.s32 s29, $0x2;
	s29 =	sadd.s32 $0x40, s29;
	[tilespmem:s28+$0x5000] =	vst.msk vm0, v4  }
0x49: {  	v5 =	vld [tilespmem:s30+$0x2800];
	p1 =	sne.s32 s29, $0x9E00  }
0x4a: {  	v4 =	vld [tilespmem:s30+$0x0];
	_ =	sdelay $0x3  }
0x4b: {  	v6 =	vsub.s32 v5, v0  }
0x4c: {  	vm0 =	vlt.u32 v6, $0x1388  }
0x4d: {  	v7 =	vsel vm0, $0x1, v1  }
0x4e: {  	[tilespmem:v5+s26+$0x0] =	vst.idx.add.f32.msk @!p0 $0xffff, v3;
	(xrf0) =	vadd.scan.msk.s32 $0xffff, v7;
	_ =	sdelay $0x2  }
.Ltmp2:
0x4f: {  	(pc) =	sbr.rel @p1 .LBB2_2-.Ltmp2, $4  }
0x50: {  	_ = 	snop  }
0x51: {  	s30 =	spop (v2sf)  }
0x52: {  	v5, _, _ =	vpop (xrf0);
	s28 =	sadd.s32 s28, s30  }
0x53: {  	[tilespmem:s28+$0x7800] =	vst.msk vm0, v6;
	(v2sf) =	vpush v5, $0xF  }
0x54: {  	_ =	sdelay $0xd  }
0x55: {  	s26 =	spop (v2sf)  }
0x56: {  	[tilespmem:s28+$0x5000] =	vst.msk vm0, v4;
	s26 =	sadd.s32 s28, s26  }
0x57: {  	_ =	strace $0x90000049;
	[tilespmem:s26+$0x7800] =	vst v2  }
0x58: {  	[tilespmem:s26+$0x5000] =	vst v1  }
0x59: {  	[tilespmem:s26+$0x7810] =	vst v2  }
0x5a: {  	[tilespmem:s26+$0x5010] =	vst v1  }
0x5b: {  	[tilespmem:s26+$0x7820] =	vst v2;
	s28 =	sadd.s32 $0x7F, s26  }
0x5c: {  	[tilespmem:s26+$0x5020] =	vst v1;
	s29 =	sand.u32 $0x7F, s28  }
0x5d: {  	[tilespmem:s26+$0x7830] =	vst v2;
	p2 =	slt.s32 s28, $0x1;
	p1 =	sne.s32 s29, $0x0;
	s29 =	sshra.s32 s28, $0x1F  }
0x5e: {  	[tilespmem:s26+$0x5030] =	vst v1;
	s29 =	sshrl.u32 s29, $0x19;
	p1 =	por !p2, !p1  }
0x5f: {  	[tilespmem:s26+$0x7840] =	vst v2;
	s28 =	sadd.s32 s29, s28;
	p1 =	por !p1, !p1;
	s29 =	simm.s32 $0x1  }
0x60: {  	[tilespmem:s26+$0x5040] =	vst v1;
	s28 =	sshra.s32 s28, $0x7;
	s29 =	simm.s32 @!p1 $0x0  }
0x61: {  	[tilespmem:s26+$0x7850] =	vst v2;
	s29 =	ssub.s32 s28, s29  }
0x62: {  	[tilespmem:s26+$0x5050] =	vst v1;
	p1 =	slt.s32 s29, $0x1  }
.Ltmp3:
0x63: {  	[tilespmem:s26+$0x7860] =	vst v2;
	(pc) =	sbr.rel @p1 .LBB2_7-.Ltmp3, $4  }
0x64: {  	[tilespmem:s26+$0x5060] =	vst v1  }
0x65: {  	[tilespmem:s26+$0x7870] =	vst v2  }
0x66: {  	[tilespmem:s26+$0x5070] =	vst v1  }
0x67: {  	_ =	strace $0x8000004A  }
0x68: {  	s26 =	simm.s32 $0x5000  }
0x69: {  	[tilespmem:s24], [sflag:$0x1] =	stream.indirect.gather [hbm4b:s1+s23], $0x80, s26, s23, $0x2000b8;
	[tilespmem:$0x1A780] =	vst v63  }
0x6a: {  	p1 =	sne.s32 s29, $0x1;
	_ =	swait.ge [sflag:s20], $0x4000  }
.Ltmp4:
0x6b: {  	[sflag:s20] =	ssyncset.done $0x0;
	(pc) =	sbr.rel @!p1 .LBB2_6-.Ltmp4, $4  }
0x6c: {  	s28 =	simm.s32 $0x7800;
	[sflag:s20] =	ssyncadd.s32 $0xFFFFC000  }
0x6d: {  	[spmem:s3] =	stream.indirect.scatter.add.f32 [tilespmem:s24], [sflag:$0x4], $0x80, s28, s23, $0x2000b8;
	[tilespmem:$0x1A780] =	vst v63  }
0x6e: {  	_ =	swait.ge [sflag:s19], $0x4000  }
0x6f: {  	s29 =	sadd.s32 $0xFFFFFFFF, s29;
	[sflag:s19] =	ssyncset.done $0x0  }
.LBB2_5:
0x70: {  	[sflag:s19] =	ssyncadd.s32 $0xFFFFC000;
	s26 =	sadd.s32 $0x80, s26;
	s28 =	sadd.s32 $0x80, s28  }
0x71: {  	[tilespmem:s24], [sflag:$0x1] =	stream.indirect.gather [hbm4b:s1+s23], $0x80, s26, s23, $0x2000b8;
	[tilespmem:$0x1A780] =	vst v63  }
0x72: {  	p1 =	sne.s32 s29, $0x1;
	s29 =	sadd.s32 $0xFFFFFFFF, s29;
	_ =	swait.ge [sflag:s20], $0x4000  }
.Ltmp5:
0x73: {  	[sflag:s20] =	ssyncset.done $0x0;
	(pc) =	sbr.rel @p1 .LBB2_5-.Ltmp5, $4  }
0x74: {  	[sflag:s20] =	ssyncadd.s32 $0xFFFFC000  }
0x75: {  	[spmem:s3] =	stream.indirect.scatter.add.f32 [tilespmem:s24], [sflag:$0x4], $0x80, s28, s23, $0x2000b8;
	[tilespmem:$0x1A780] =	vst v63  }
0x76: {  	_ =	swait.ge [sflag:s19], $0x4000  }
0x77: {  	[sflag:s19] =	ssyncset.done $0x0  }
.LBB2_6:
0x78: {  	[sflag:s19] =	ssyncadd.s32 $0xFFFFC000  }
.LBB2_7:
0x79: {  	_ =	strace $0x9000004A  }
0x7a: {  	s26 =	simm.s32 $0x0;
	_ =	strace $0x8000004B  }
0x7b: {  	[tilespmem:s26], [sflag:$0x2] =	stream.linear.gather [hbm4b:s9+s26], $0x2780, $0x200038;
	[tilespmem:$0x1A780] =	vst v63  }
0x7c: {  	_ = 	snop  }
0x7d: {  	[tilespmem:s17], [sflag:$0x3] =	stream.linear.gather [hbm4b:s10+s26], $0x2780, $0x200038;
	[tilespmem:$0x1A780] =	vst v63  }
0x7e: {  	_ =	swait.ge [sflag:s21], $0x2780  }
0x7f: {  	[sflag:s21] =	ssyncset.done $0x0  }
0x80: {  	[sflag:s21] =	ssyncadd.s32 $0xFFFFD880  }
0x81: {  	_ =	swait.ge [sflag:s22], $0x2780  }
0x82: {  	[sflag:s22] =	ssyncset.done $0x0  }
0x83: {  	[sflag:s22] =	ssyncadd.s32 $0xFFFFD880  }
0x84: {  	_ =	strace $0x9000004B  }
0x85: {  	s28 =	simm.s32 $0x0;
	_ =	strace $0x8000004C  }
0x86: {  	v5 =	vld [tilespmem:s28+$0x2800];
	_ =	sdelay $0x4  }
0x87: {  	v6 =	vsub.s32 v5, v0  }
0x88: {  	vm0 =	vlt.u32 v6, $0x1388  }
0x89: {  	v3 =	vsel vm0, $0x1, v1  }
0x8a: {  	(xrf0) =	vadd.scan.msk.s32 $0xffff, v3;
	_ =	sdelay $0x2  }
0x8b: {  	v4 =	vld [tilespmem:s28+$0x0];
	_ =	sdelay $0x1  }
0x8c: {  	s28 =	simm.s32 @!p0 $0xE000;
	v3 =	vimm.f32 @!p0 $1.000000000e+00  }
0x8d: {  	[tilespmem:v5+s28+$0x0] =	vst.idx.add.f32.msk @!p0 $0xffff, v3;
	v5, _, _ =	vpop (xrf0)  }
0x8e: {  	s29 =	simm.s32 $0x40;
	[tilespmem:s26+$0x7800] =	vst.msk vm0, v6;
	(v2sf) =	vpush v5, $0xF  }
.LBB2_8:
0x8f: {  	s30 =	sshra.s32 s29, $0x2;
	s29 =	sadd.s32 $0x40, s29;
	[tilespmem:s26+$0x5000] =	vst.msk vm0, v4  }
0x90: {  	v5 =	vld [tilespmem:s30+$0x2800];
	p1 =	sne.s32 s29, $0x9E00  }
0x91: {  	v4 =	vld [tilespmem:s30+$0x0];
	_ =	sdelay $0x3  }
0x92: {  	v6 =	vsub.s32 v5, v0  }
0x93: {  	vm0 =	vlt.u32 v6, $0x1388  }
0x94: {  	v7 =	vsel vm0, $0x1, v1  }
0x95: {  	[tilespmem:v5+s28+$0x0] =	vst.idx.add.f32.msk @!p0 $0xffff, v3;
	(xrf0) =	vadd.scan.msk.s32 $0xffff, v7;
	_ =	sdelay $0x2  }
.Ltmp6:
0x96: {  	(pc) =	sbr.rel @p1 .LBB2_8-.Ltmp6, $4  }
0x97: {  	_ = 	snop  }
0x98: {  	s30 =	spop (v2sf)  }
0x99: {  	v5, _, _ =	vpop (xrf0);
	s26 =	sadd.s32 s26, s30  }
0x9a: {  	[tilespmem:s26+$0x7800] =	vst.msk vm0, v6;
	(v2sf) =	vpush v5, $0xF  }
0x9b: {  	_ =	sdelay $0xd  }
0x9c: {  	s28 =	spop (v2sf)  }
0x9d: {  	[tilespmem:s26+$0x5000] =	vst.msk vm0, v4;
	s31 =	sadd.s32 s26, s28  }
0x9e: {  	_ =	strace $0x9000004C;
	[tilespmem:s31+$0x7800] =	vst v2  }
0x9f: {  	[tilespmem:s31+$0x5000] =	vst v1  }
0xa0: {  	[tilespmem:s31+$0x7810] =	vst v2  }
0xa1: {  	[tilespmem:s31+$0x5010] =	vst v1  }
0xa2: {  	[tilespmem:s31+$0x7820] =	vst v2;
	s28 =	sadd.s32 $0x7F, s31  }
0xa3: {  	[tilespmem:s31+$0x5020] =	vst v1;
	s29 =	sand.u32 $0x7F, s28  }
0xa4: {  	[tilespmem:s31+$0x7830] =	vst v2;
	p2 =	slt.s32 s28, $0x1;
	p1 =	sne.s32 s29, $0x0;
	s29 =	sshra.s32 s28, $0x1F  }
0xa5: {  	[tilespmem:s31+$0x5030] =	vst v1;
	s29 =	sshrl.u32 s29, $0x19;
	p1 =	por !p2, !p1  }
0xa6: {  	[tilespmem:s31+$0x7840] =	vst v2;
	s28 =	sadd.s32 s29, s28;
	p1 =	por !p1, !p1;
	s29 =	simm.s32 $0x1  }
0xa7: {  	[tilespmem:s31+$0x5040] =	vst v1;
	s28 =	sshra.s32 s28, $0x7;
	s29 =	simm.s32 @!p1 $0x0  }
0xa8: {  	[tilespmem:s31+$0x7850] =	vst v2;
	s29 =	ssub.s32 s28, s29  }
0xa9: {  	[tilespmem:s31+$0x5050] =	vst v1;
	p1 =	slt.s32 s29, $0x1  }
.Ltmp7:
0xaa: {  	[tilespmem:s31+$0x7860] =	vst v2;
	(pc) =	sbr.rel @p1 .LBB2_13-.Ltmp7, $4  }
0xab: {  	[tilespmem:s31+$0x5060] =	vst v1  }
0xac: {  	[tilespmem:s31+$0x7870] =	vst v2  }
0xad: {  	[tilespmem:s31+$0x5070] =	vst v1  }
0xae: {  	_ =	strace $0x8000004D  }
0xaf: {  	s26 =	simm.s32 $0x5000  }
0xb0: {  	[tilespmem:s24], [sflag:$0x1] =	stream.indirect.gather [hbm4b:s1+s23], $0x80, s26, s23, $0x2000b8;
	[tilespmem:$0x1A780] =	vst v63  }
0xb1: {  	p1 =	sne.s32 s29, $0x1;
	_ =	swait.ge [sflag:s20], $0x4000  }
.Ltmp8:
0xb2: {  	[sflag:s20] =	ssyncset.done $0x0;
	(pc) =	sbr.rel @!p1 .LBB2_12-.Ltmp8, $4  }
0xb3: {  	s28 =	simm.s32 $0x7800;
	[sflag:s20] =	ssyncadd.s32 $0xFFFFC000  }
0xb4: {  	[spmem:s3] =	stream.indirect.scatter.add.f32 [tilespmem:s24], [sflag:$0x4], $0x80, s28, s23, $0x2000b8;
	[tilespmem:$0x1A780] =	vst v63  }
0xb5: {  	_ =	swait.ge [sflag:s19], $0x4000  }
0xb6: {  	s29 =	sadd.s32 $0xFFFFFFFF, s29;
	[sflag:s19] =	ssyncset.done $0x0  }
.LBB2_11:
0xb7: {  	[sflag:s19] =	ssyncadd.s32 $0xFFFFC000;
	s26 =	sadd.s32 $0x80, s26;
	s28 =	sadd.s32 $0x80, s28  }
0xb8: {  	[tilespmem:s24], [sflag:$0x1] =	stream.indirect.gather [hbm4b:s1+s23], $0x80, s26, s23, $0x2000b8;
	[tilespmem:$0x1A780] =	vst v63  }
0xb9: {  	p1 =	sne.s32 s29, $0x1;
	s29 =	sadd.s32 $0xFFFFFFFF, s29;
	_ =	swait.ge [sflag:s20], $0x4000  }
.Ltmp9:
0xba: {  	[sflag:s20] =	ssyncset.done $0x0;
	(pc) =	sbr.rel @p1 .LBB2_11-.Ltmp9, $4  }
0xbb: {  	[sflag:s20] =	ssyncadd.s32 $0xFFFFC000  }
0xbc: {  	[spmem:s3] =	stream.indirect.scatter.add.f32 [tilespmem:s24], [sflag:$0x4], $0x80, s28, s23, $0x2000b8;
	[tilespmem:$0x1A780] =	vst v63  }
0xbd: {  	_ =	swait.ge [sflag:s19], $0x4000  }
0xbe: {  	[sflag:s19] =	ssyncset.done $0x0  }
.Ltmp10:
0xbf: {  	_ = 	snop;
	(pc) =	sbr.rel .LBB2_12-.Ltmp10, $1  }
0xc0: {  	_ =	sdelay $0x3  }
.LBB2_14:
0xc1: {  	_ =	sfence.sel $0x180000  }
0xc2: {  	[bflag:$0x0] =	sbarrier.arrive $0xFFFF  }
0xc3: {  	p0 =	sne.s32 s2, $0x0;
	_ =	strace $0x90000047  }
0xc4: {  	s0 =	sadd.s32 @!p0 $0x100000, s0;
	[bflag:$0x2] =	sbarrier.arrive $0xFFFF  }
0xc5: {  	[sflag:s0] =	ssyncadd.tile.s32 @!p0 $0x1;
	_ =	shalt  }
.Lfunc_end2:
_tile_overlayer_lowered:
.L_overlay_start_2:
0xc6: {  	(tag) =	ssettag $0x2  }
0xc7: {  	s0 =	rddreg [dreg:$0x0];
	s2 =	stileid.u32  }
0xc8: {  	s1 =	rddreg [dreg:$0x1];
	p0 =	sne.s32 s2, $0x0  }
0xc9: {  	s3 =	rddreg [dreg:$0x2];
	[bflag:$0x3] =	sbarrier.arrive $0xFFFF;
	s2 =	simm.s32 @!p0 $0x1C04  }
0xca: {  	[timem:s3], [sflag:s2] =	dma.local @!p0 [hbm:s0], s1  }
0xcb: {  	s0 =	simm.s32 @!p0 $0x4  }
0xcc: {  	_ =	swait.ge @!p0 [sflag:s0], s1  }
0xcd: {  	s1 =	ssub.s32 @!p0 $0x0, s1;
	[sflag:s0] =	ssyncset.done @!p0 $0x0  }
0xce: {  	[sflag:s0] =	ssyncadd.s32 @!p0 s1  }
0xcf: {  	[bflag:$0x3] =	sbarrier.arrive $0xFFFF  }
0xd0: {  	_ =	shalt  }

</sc_bundles>
